<compile_context>
chip_gen: v7x
topology: tpu7x:2x2x1
jax: 0.10.2.dev20260603
libtpu: 0.0.44.dev20260713+nightly
codegen_flags: <defaults>
</compile_context>

<pallas_src>
import functools

import jax
import jax.numpy as jnp
from jax import lax
from jax.experimental import pallas as pl
from jax.experimental.pallas import tpu as pltpu
from jax.experimental.pallas import tpu_sc as plsc

_B = 4096
_S = 200
_D = 64
_NW = 32
_TOTAL = _B * _S

_GRP = 128
_NGRP = 25
_CHUNK = _GRP * _NGRP
_ROWS_PER_W = _TOTAL // _NW
_NCHUNK = _ROWS_PER_W // _CHUNK
_BR_PER_CHUNK = _CHUNK // _S


def _emb_kernel(idx_hbm, tok_hbm, pos_hbm, out_hbm, idx_v, rows_v, pos_v, sem):
    wid = lax.axis_index("s") * 2 + lax.axis_index("c")

    pltpu.sync_copy(pos_hbm.at[pl.ds(0, _S)], pos_v)

    def chunk_body(c, carry):
        base = pl.multiple_of(wid * _ROWS_PER_W + c * _CHUNK, _CHUNK)

        pltpu.sync_copy(idx_hbm.at[base // _CHUNK], idx_v)

        copies = []
        for j in range(_NGRP):
            copies.append(
                pltpu.async_copy(
                    tok_hbm.at[idx_v.at[j]],
                    rows_v.at[pl.ds(j * _GRP, _GRP)],
                    sem,
                )
            )
        for cp in copies:
            cp.wait()

        def add_body(s, carry2):
            for br in range(_BR_PER_CHUNK):
                r = br * _S
                for half in range(2):
                    t = rows_v[r + s, pl.ds(half * 32, 32)]
                    p = pos_v[s, pl.ds(half * 32, 32)]
                    rows_v[r + s, pl.ds(half * 32, 32)] = t + p
            return carry2

        lax.fori_loop(0, _S, add_body, 0)

        pltpu.sync_copy(rows_v, out_hbm.at[pl.ds(base, _CHUNK)])
        return carry

    lax.fori_loop(0, _NCHUNK, chunk_body, 0)


@jax.jit
def kernel(x, token_table, pos_table):
    idx = x.reshape(_TOTAL // _CHUNK, _NGRP, _GRP).astype(jnp.int32)

    mesh = plsc.VectorSubcoreMesh(core_axis_name="c", subcore_axis_name="s")
    out = pl.kernel(
        _emb_kernel,
        mesh=mesh,
        compiler_params=pltpu.CompilerParams(use_tc_tiling_on_sc=False),
        out_type=jax.ShapeDtypeStruct((_TOTAL, _D), jnp.bfloat16),
        scratch_types=[
            pltpu.VMEM((_NGRP, _GRP), jnp.int32),
            pltpu.VMEM((_CHUNK, _D), jnp.bfloat16),
            pltpu.VMEM((_S, _D), jnp.bfloat16),
            pltpu.SemaphoreType.DMA,
        ],
    )(idx, token_table, pos_table)

    return out.reshape(_B, _S, _D)

# --- scband reference (transcript-rebuilt; emitter-appended) ---
"""Pipeline reference for scband-embedding-61237643707001 (READ-ONLY COPY).

The authoritative reference and input builder live on the scoring server;
editing this copy changes nothing except your own understanding.
"""

import jax, jax.numpy as jnp
import numpy as np

N_VOCAB = 1000000
N_TOKENS = 512
DIM = 64
B = 4096
S = 200


def setup_inputs(seed: int = 0) -> dict:
    key = jax.random.key(seed)
    k1, k2, k3 = jax.random.split(key, 3)
    x = jax.random.randint(k1, (B, S), 0, N_VOCAB)
    token_table = (jax.random.normal(k2, (N_VOCAB, DIM), dtype=jnp.float32) * 0.02).astype(jnp.bfloat16)
    pos_table = (jax.random.normal(k3, (N_TOKENS, DIM), dtype=jnp.float32) * 0.02).astype(jnp.bfloat16)
    return {"x": x, "token_table": token_table, "pos_table": pos_table}


def reference(x, token_table, pos_table):
    # Embedding.forward: e = dropout(token(x) + pos(positions[:S]).unsqueeze(0))
    # Dropout is identity in eval/inference mode.
    _, n_tokens = x.shape
    e_token = jnp.take(token_table, x, axis=0)              # [B, S, D] bf16 gather
    positions = jnp.arange(n_tokens, dtype=jnp.int32)       # buffer positions[:S]
    e_pos = jnp.take(pos_table, positions, axis=0)[None]    # [1, S, D]
    e = e_token + e_pos
    return e

if __name__ == "__main__":
    import jax
    _d = setup_inputs()
    print(jax.jit(kernel)(*tuple(_d.values())))

</pallas_src>

<mosaic_0001>
#map = affine_map<(d0, d1) -> (0, 0, 0)>
#map1 = affine_map<(d0, d1) -> (0, 0)>
module attributes {stable_mosaic.version = 14 : i64} {
  func.func @_emb_kernel(%arg0: i32, %arg1: i32, %arg2: memref<256x25x128xi32, #tpu.memory_space<hbm>>, %arg3: memref<1000000x64xbf16, #tpu.memory_space<hbm>>, %arg4: memref<512x64xbf16, #tpu.memory_space<hbm>>, %arg5: memref<819200x64xbf16, #tpu.memory_space<hbm>>, %arg6: memref<25x128xi32, #tpu.memory_space<vmem>>, %arg7: memref<3200x64xbf16, #tpu.memory_space<vmem>>, %arg8: memref<200x64xbf16, #tpu.memory_space<vmem>>, %arg9: memref<!tpu.dma_semaphore, #tpu.memory_space<semaphore_mem>>) attributes {dimension_semantics = [#tpu.dimension_semantics<core_parallel>, #tpu.dimension_semantics<subcore_parallel>], iteration_bounds = array<i64: 2, 16>, scalar_prefetch = 0 : i64, scratch_operands = 4 : i64, tpu.core_type = #tpu.core_type<sc_vector_subcore>, window_params = [{transform_indices = #map}, {transform_indices = #map1}, {transform_indices = #map1}, {transform_indices = #map1}]} {
    %mul3A = arith.constant 2 : i32
    %mul3A_0 = arith.muli %arg1, %mul3A : i32
    %add3A = arith.addi %mul3A_0, %arg0 : i32
    "tpu.region"() ({
      %run_scoped3A = tpu.sem_alloc : memref<!tpu.dma_semaphore, #tpu.memory_space<semaphore_mem>>
      %dma_start3A = arith.constant 0 : i32
      %dma_start3A_6 = arith.constant 0 : i32
      %dma_start3A_7 = tpu.memref_slice %arg4[%dma_start3A, %dma_start3A_6] : memref<512x64xbf16, #tpu.memory_space<hbm>> -> memref<200x64xbf16, #tpu.memory_space<hbm>>
      %dma_start3A_8 = arith.constant 0 : i32
      %dma_start3A_9 = arith.constant 0 : i32
      %dma_start3A_10 = tpu.memref_slice %arg4[%dma_start3A_8, %dma_start3A_9] : memref<512x64xbf16, #tpu.memory_space<hbm>> -> memref<200x64xbf16, #tpu.memory_space<hbm>>
      tpu.enqueue_dma source(%dma_start3A_10 : memref<200x64xbf16, #tpu.memory_space<hbm>>) target(%arg8 : memref<200x64xbf16, #tpu.memory_space<vmem>>) target_semaphore(%run_scoped3A : memref<!tpu.dma_semaphore, #tpu.memory_space<semaphore_mem>>)
      %dma_wait3A = arith.constant 0 : i32
      %dma_wait3A_11 = arith.constant 0 : i32
      %dma_wait3A_12 = tpu.memref_slice %arg4[%dma_wait3A, %dma_wait3A_11] : memref<512x64xbf16, #tpu.memory_space<hbm>> -> memref<200x64xbf16, #tpu.memory_space<hbm>>
      %dma_wait3A_13 = arith.constant 0 : i32
      %dma_wait3A_14 = arith.constant 0 : i32
      %dma_wait3A_15 = tpu.memref_slice %arg4[%dma_wait3A_13, %dma_wait3A_14] : memref<512x64xbf16, #tpu.memory_space<hbm>> -> memref<200x64xbf16, #tpu.memory_space<hbm>>
      tpu.wait_dma2 semaphore(%run_scoped3A : memref<!tpu.dma_semaphore, #tpu.memory_space<semaphore_mem>>) src(%dma_wait3A_15 : memref<200x64xbf16, #tpu.memory_space<hbm>>) dst(%arg8 : memref<200x64xbf16, #tpu.memory_space<vmem>>)
      tpu.yield
    }) : () -> ()
    %scan3A = arith.constant 0 : i32
    %scan3A_1 = arith.constant 0 : i32
    %scan3A_2 = arith.constant 8 : i32
    %scan3A_3 = arith.addi %scan3A_1, %scan3A_2 : i32
    %scan3A_4 = arith.constant 1 : i32
    scf.for %scan3A_6 = %scan3A_1 to %scan3A_3 step %scan3A_4  : i32 {
      %mul3A_7 = arith.constant 25600 : i32
      %mul3A_8 = arith.muli %add3A, %mul3A_7 : i32
      %mul3A_9 = arith.constant 3200 : i32
      %mul3A_10 = arith.muli %scan3A_6, %mul3A_9 : i32
      %add3A_11 = arith.addi %mul3A_8, %mul3A_10 : i32
      %multiple_of3A = tpu.assume_multiple %add3A_11, 3200 : i32
      %jit3A = arith.constant 3200 : i32
      %div3A = arith.divsi %multiple_of3A, %jit3A : i32
      %sign3A = arith.constant 0 : i32
      %sign3A_12 = arith.cmpi sgt, %multiple_of3A, %sign3A : i32
      %sign3A_13 = arith.extui %sign3A_12 : i1 to i32
      %sign3A_14 = arith.constant 0 : i32
      %sign3A_15 = arith.cmpi slt, %multiple_of3A, %sign3A_14 : i32
      %sign3A_16 = arith.extui %sign3A_15 : i1 to i32
      %sign3A_17 = arith.subi %sign3A_13, %sign3A_16 : i32
      %sign3A_18 = arith.constant 0 : i32
      %sign3A_19 = arith.cmpi sgt, %jit3A, %sign3A_18 : i32
      %sign3A_20 = arith.extui %sign3A_19 : i1 to i32
      %sign3A_21 = arith.constant 0 : i32
      %sign3A_22 = arith.cmpi slt, %jit3A, %sign3A_21 : i32
      %sign3A_23 = arith.extui %sign3A_22 : i1 to i32
      %sign3A_24 = arith.subi %sign3A_20, %sign3A_23 : i32
      %ne3A = arith.cmpi ne, %sign3A_17, %sign3A_24 : i32
      %rem3A = arith.remsi %multiple_of3A, %jit3A : i32
      %ne3A_25 = arith.constant 0 : i32
      %ne3A_26 = arith.cmpi ne, %rem3A, %ne3A_25 : i32
      %and3A = arith.andi %ne3A, %ne3A_26 : i1
      %sub3A = arith.constant 1 : i32
      %sub3A_27 = arith.subi %div3A, %sub3A : i32
      %select_n3A = arith.select %and3A, %sub3A_27, %div3A : i32
      "tpu.region"() ({
        %run_scoped3A = tpu.sem_alloc : memref<!tpu.dma_semaphore, #tpu.memory_space<semaphore_mem>>
        %dma_start3A_532 = arith.constant 0 : i32
        %dma_start3A_533 = arith.constant 0 : i32
        %dma_start3A_534 = tpu.memref_slice %arg2[%select_n3A, %dma_start3A_532, %dma_start3A_533] : memref<256x25x128xi32, #tpu.memory_space<hbm>> -> memref<1x25x128xi32, #tpu.memory_space<hbm>>
        %dma_start3A_535 = tpu.memref_squeeze %dma_start3A_534 : memref<1x25x128xi32, #tpu.memory_space<hbm>> -> memref<25x128xi32, #tpu.memory_space<hbm>>
        %dma_start3A_536 = arith.constant 0 : i32
        %dma_start3A_537 = arith.constant 0 : i32
        %dma_start3A_538 = tpu.memref_slice %arg2[%select_n3A, %dma_start3A_536, %dma_start3A_537] : memref<256x25x128xi32, #tpu.memory_space<hbm>> -> memref<1x25x128xi32, #tpu.memory_space<hbm>>
        %dma_start3A_539 = tpu.memref_squeeze %dma_start3A_538 : memref<1x25x128xi32, #tpu.memory_space<hbm>> -> memref<25x128xi32, #tpu.memory_space<hbm>>
        tpu.enqueue_dma source(%dma_start3A_539 : memref<25x128xi32, #tpu.memory_space<hbm>>) target(%arg6 : memref<25x128xi32, #tpu.memory_space<vmem>>) target_semaphore(%run_scoped3A : memref<!tpu.dma_semaphore, #tpu.memory_space<semaphore_mem>>)
        %dma_wait3A_540 = arith.constant 0 : i32
        %dma_wait3A_541 = arith.constant 0 : i32
        %dma_wait3A_542 = tpu.memref_slice %arg2[%select_n3A, %dma_wait3A_540, %dma_wait3A_541] : memref<256x25x128xi32, #tpu.memory_space<hbm>> -> memref<1x25x128xi32, #tpu.memory_space<hbm>>
        %dma_wait3A_543 = tpu.memref_squeeze %dma_wait3A_542 : memref<1x25x128xi32, #tpu.memory_space<hbm>> -> memref<25x128xi32, #tpu.memory_space<hbm>>
        %dma_wait3A_544 = arith.constant 0 : i32
        %dma_wait3A_545 = arith.constant 0 : i32
        %dma_wait3A_546 = tpu.memref_slice %arg2[%select_n3A, %dma_wait3A_544, %dma_wait3A_545] : memref<256x25x128xi32, #tpu.memory_space<hbm>> -> memref<1x25x128xi32, #tpu.memory_space<hbm>>
        %dma_wait3A_547 = tpu.memref_squeeze %dma_wait3A_546 : memref<1x25x128xi32, #tpu.memory_space<hbm>> -> memref<25x128xi32, #tpu.memory_space<hbm>>
        tpu.wait_dma2 semaphore(%run_scoped3A : memref<!tpu.dma_semaphore, #tpu.memory_space<semaphore_mem>>) src(%dma_wait3A_547 : memref<25x128xi32, #tpu.memory_space<hbm>>) dst(%arg6 : memref<25x128xi32, #tpu.memory_space<vmem>>)
        tpu.yield
      }) : () -> ()
      %dma_start3A = arith.constant 0 : i32
      %dma_start3A_28 = arith.constant 0 : i32
      %dma_start3A_29 = arith.constant 0 : i32
      %dma_start3A_30 = tpu.memref_slice %arg7[%dma_start3A_28, %dma_start3A_29] : memref<3200x64xbf16, #tpu.memory_space<vmem>> -> memref<128x64xbf16, #tpu.memory_space<vmem>>
      %dma_start3A_31 = arith.constant 0 : i32
      %dma_start3A_32 = tpu.memref_slice %arg6[%dma_start3A, %dma_start3A_31] : memref<25x128xi32, #tpu.memory_space<vmem>> -> memref<1x128xi32, #tpu.memory_space<vmem>>
      %dma_start3A_33 = tpu.memref_squeeze %dma_start3A_32 : memref<1x128xi32, #tpu.memory_space<vmem>> -> memref<128xi32, #tpu.memory_space<vmem>>
      %dma_start3A_34 = arith.constant 0 : i32
      %dma_start3A_35 = arith.constant 0 : i32
      %dma_start3A_36 = tpu.memref_slice %arg3[%dma_start3A_34, %dma_start3A_35] : memref<1000000x64xbf16, #tpu.memory_space<hbm>> -> memref<1000000x64xbf16, #tpu.memory_space<hbm>>
      tpu.enqueue_indirect_dma source(%dma_start3A_36 : memref<1000000x64xbf16, #tpu.memory_space<hbm>>) target(%dma_start3A_30 : memref<128x64xbf16, #tpu.memory_space<vmem>>) offsets(%dma_start3A_33 : memref<128xi32, #tpu.memory_space<vmem>>) semaphore(%arg9 : memref<!tpu.dma_semaphore, #tpu.memory_space<semaphore_mem>>)
      %dma_start3A_37 = arith.constant 1 : i32
      %dma_start3A_38 = arith.constant 128 : i32
      %dma_start3A_39 = arith.constant 0 : i32
      %dma_start3A_40 = tpu.memref_slice %arg7[%dma_start3A_38, %dma_start3A_39] : memref<3200x64xbf16, #tpu.memory_space<vmem>> -> memref<128x64xbf16, #tpu.memory_space<vmem>>
      %dma_start3A_41 = arith.constant 0 : i32
      %dma_start3A_42 = tpu.memref_slice %arg6[%dma_start3A_37, %dma_start3A_41] : memref<25x128xi32, #tpu.memory_space<vmem>> -> memref<1x128xi32, #tpu.memory_space<vmem>>
      %dma_start3A_43 = tpu.memref_squeeze %dma_start3A_42 : memref<1x128xi32, #tpu.memory_space<vmem>> -> memref<128xi32, #tpu.memory_space<vmem>>
      %dma_start3A_44 = arith.constant 0 : i32
      %dma_start3A_45 = arith.constant 0 : i32
      %dma_start3A_46 = tpu.memref_slice %arg3[%dma_start3A_44, %dma_start3A_45] : memref<1000000x64xbf16, #tpu.memory_space<hbm>> -> memref<1000000x64xbf16, #tpu.memory_space<hbm>>
      tpu.enqueue_indirect_dma source(%dma_start3A_46 : memref<1000000x64xbf16, #tpu.memory_space<hbm>>) target(%dma_start3A_40 : memref<128x64xbf16, #tpu.memory_space<vmem>>) offsets(%dma_start3A_43 : memref<128xi32, #tpu.memory_space<vmem>>) semaphore(%arg9 : memref<!tpu.dma_semaphore, #tpu.memory_space<semaphore_mem>>)
      %dma_start3A_47 = arith.constant 2 : i32
      %dma_start3A_48 = arith.constant 256 : i32
      %dma_start3A_49 = arith.constant 0 : i32
      %dma_start3A_50 = tpu.memref_slice %arg7[%dma_start3A_48, %dma_start3A_49] : memref<3200x64xbf16, #tpu.memory_space<vmem>> -> memref<128x64xbf16, #tpu.memory_space<vmem>>
      %dma_start3A_51 = arith.constant 0 : i32
      %dma_start3A_52 = tpu.memref_slice %arg6[%dma_start3A_47, %dma_start3A_51] : memref<25x128xi32, #tpu.memory_space<vmem>> -> memref<1x128xi32, #tpu.memory_space<vmem>>
      %dma_start3A_53 = tpu.memref_squeeze %dma_start3A_52 : memref<1x128xi32, #tpu.memory_space<vmem>> -> memref<128xi32, #tpu.memory_space<vmem>>
      %dma_start3A_54 = arith.constant 0 : i32
      %dma_start3A_55 = arith.constant 0 : i32
      %dma_start3A_56 = tpu.memref_slice %arg3[%dma_start3A_54, %dma_start3A_55] : memref<1000000x64xbf16, #tpu.memory_space<hbm>> -> memref<1000000x64xbf16, #tpu.memory_space<hbm>>
      tpu.enqueue_indirect_dma source(%dma_start3A_56 : memref<1000000x64xbf16, #tpu.memory_space<hbm>>) target(%dma_start3A_50 : memref<128x64xbf16, #tpu.memory_space<vmem>>) offsets(%dma_start3A_53 : memref<128xi32, #tpu.memory_space<vmem>>) semaphore(%arg9 : memref<!tpu.dma_semaphore, #tpu.memory_space<semaphore_mem>>)
      %dma_start3A_57 = arith.constant 3 : i32
      %dma_start3A_58 = arith.constant 384 : i32
      %dma_start3A_59 = arith.constant 0 : i32
      %dma_start3A_60 = tpu.memref_slice %arg7[%dma_start3A_58, %dma_start3A_59] : memref<3200x64xbf16, #tpu.memory_space<vmem>> -> memref<128x64xbf16, #tpu.memory_space<vmem>>
      %dma_start3A_61 = arith.constant 0 : i32
      %dma_start3A_62 = tpu.memref_slice %arg6[%dma_start3A_57, %dma_start3A_61] : memref<25x128xi32, #tpu.memory_space<vmem>> -> memref<1x128xi32, #tpu.memory_space<vmem>>
      %dma_start3A_63 = tpu.memref_squeeze %dma_start3A_62 : memref<1x128xi32, #tpu.memory_space<vmem>> -> memref<128xi32, #tpu.memory_space<vmem>>
      %dma_start3A_64 = arith.constant 0 : i32
      %dma_start3A_65 = arith.constant 0 : i32
      %dma_start3A_66 = tpu.memref_slice %arg3[%dma_start3A_64, %dma_start3A_65] : memref<1000000x64xbf16, #tpu.memory_space<hbm>> -> memref<1000000x64xbf16, #tpu.memory_space<hbm>>
      tpu.enqueue_indirect_dma source(%dma_start3A_66 : memref<1000000x64xbf16, #tpu.memory_space<hbm>>) target(%dma_start3A_60 : memref<128x64xbf16, #tpu.memory_space<vmem>>) offsets(%dma_start3A_63 : memref<128xi32, #tpu.memory_space<vmem>>) semaphore(%arg9 : memref<!tpu.dma_semaphore, #tpu.memory_space<semaphore_mem>>)
      %dma_start3A_67 = arith.constant 4 : i32
      %dma_start3A_68 = arith.constant 512 : i32
      %dma_start3A_69 = arith.constant 0 : i32
      %dma_start3A_70 = tpu.memref_slice %arg7[%dma_start3A_68, %dma_start3A_69] : memref<3200x64xbf16, #tpu.memory_space<vmem>> -> memref<128x64xbf16, #tpu.memory_space<vmem>>
      %dma_start3A_71 = arith.constant 0 : i32
      %dma_start3A_72 = tpu.memref_slice %arg6[%dma_start3A_67, %dma_start3A_71] : memref<25x128xi32, #tpu.memory_space<vmem>> -> memref<1x128xi32, #tpu.memory_space<vmem>>
      %dma_start3A_73 = tpu.memref_squeeze %dma_start3A_72 : memref<1x128xi32, #tpu.memory_space<vmem>> -> memref<128xi32, #tpu.memory_space<vmem>>
      %dma_start3A_74 = arith.constant 0 : i32
      %dma_start3A_75 = arith.constant 0 : i32
      %dma_start3A_76 = tpu.memref_slice %arg3[%dma_start3A_74, %dma_start3A_75] : memref<1000000x64xbf16, #tpu.memory_space<hbm>> -> memref<1000000x64xbf16, #tpu.memory_space<hbm>>
      tpu.enqueue_indirect_dma source(%dma_start3A_76 : memref<1000000x64xbf16, #tpu.memory_space<hbm>>) target(%dma_start3A_70 : memref<128x64xbf16, #tpu.memory_space<vmem>>) offsets(%dma_start3A_73 : memref<128xi32, #tpu.memory_space<vmem>>) semaphore(%arg9 : memref<!tpu.dma_semaphore, #tpu.memory_space<semaphore_mem>>)
      %dma_start3A_77 = arith.constant 5 : i32
      %dma_start3A_78 = arith.constant 640 : i32
      %dma_start3A_79 = arith.constant 0 : i32
      %dma_start3A_80 = tpu.memref_slice %arg7[%dma_start3A_78, %dma_start3A_79] : memref<3200x64xbf16, #tpu.memory_space<vmem>> -> memref<128x64xbf16, #tpu.memory_space<vmem>>
      %dma_start3A_81 = arith.constant 0 : i32
      %dma_start3A_82 = tpu.memref_slice %arg6[%dma_start3A_77, %dma_start3A_81] : memref<25x128xi32, #tpu.memory_space<vmem>> -> memref<1x128xi32, #tpu.memory_space<vmem>>
      %dma_start3A_83 = tpu.memref_squeeze %dma_start3A_82 : memref<1x128xi32, #tpu.memory_space<vmem>> -> memref<128xi32, #tpu.memory_space<vmem>>
      %dma_start3A_84 = arith.constant 0 : i32
      %dma_start3A_85 = arith.constant 0 : i32
      %dma_start3A_86 = tpu.memref_slice %arg3[%dma_start3A_84, %dma_start3A_85] : memref<1000000x64xbf16, #tpu.memory_space<hbm>> -> memref<1000000x64xbf16, #tpu.memory_space<hbm>>
      tpu.enqueue_indirect_dma source(%dma_start3A_86 : memref<1000000x64xbf16, #tpu.memory_space<hbm>>) target(%dma_start3A_80 : memref<128x64xbf16, #tpu.memory_space<vmem>>) offsets(%dma_start3A_83 : memref<128xi32, #tpu.memory_space<vmem>>) semaphore(%arg9 : memref<!tpu.dma_semaphore, #tpu.memory_space<semaphore_mem>>)
      %dma_start3A_87 = arith.constant 6 : i32
      %dma_start3A_88 = arith.constant 768 : i32
      %dma_start3A_89 = arith.constant 0 : i32
      %dma_start3A_90 = tpu.memref_slice %arg7[%dma_start3A_88, %dma_start3A_89] : memref<3200x64xbf16, #tpu.memory_space<vmem>> -> memref<128x64xbf16, #tpu.memory_space<vmem>>
      %dma_start3A_91 = arith.constant 0 : i32
      %dma_start3A_92 = tpu.memref_slice %arg6[%dma_start3A_87, %dma_start3A_91] : memref<25x128xi32, #tpu.memory_space<vmem>> -> memref<1x128xi32, #tpu.memory_space<vmem>>
      %dma_start3A_93 = tpu.memref_squeeze %dma_start3A_92 : memref<1x128xi32, #tpu.memory_space<vmem>> -> memref<128xi32, #tpu.memory_space<vmem>>
      %dma_start3A_94 = arith.constant 0 : i32
      %dma_start3A_95 = arith.constant 0 : i32
      %dma_start3A_96 = tpu.memref_slice %arg3[%dma_start3A_94, %dma_start3A_95] : memref<1000000x64xbf16, #tpu.memory_space<hbm>> -> memref<1000000x64xbf16, #tpu.memory_space<hbm>>
      tpu.enqueue_indirect_dma source(%dma_start3A_96 : memref<1000000x64xbf16, #tpu.memory_space<hbm>>) target(%dma_start3A_90 : memref<128x64xbf16, #tpu.memory_space<vmem>>) offsets(%dma_start3A_93 : memref<128xi32, #tpu.memory_space<vmem>>) semaphore(%arg9 : memref<!tpu.dma_semaphore, #tpu.memory_space<semaphore_mem>>)
      %dma_start3A_97 = arith.constant 7 : i32
      %dma_start3A_98 = arith.constant 896 : i32
      %dma_start3A_99 = arith.constant 0 : i32
      %dma_start3A_100 = tpu.memref_slice %arg7[%dma_start3A_98, %dma_start3A_99] : memref<3200x64xbf16, #tpu.memory_space<vmem>> -> memref<128x64xbf16, #tpu.memory_space<vmem>>
      %dma_start3A_101 = arith.constant 0 : i32
      %dma_start3A_102 = tpu.memref_slice %arg6[%dma_start3A_97, %dma_start3A_101] : memref<25x128xi32, #tpu.memory_space<vmem>> -> memref<1x128xi32, #tpu.memory_space<vmem>>
      %dma_start3A_103 = tpu.memref_squeeze %dma_start3A_102 : memref<1x128xi32, #tpu.memory_space<vmem>> -> memref<128xi32, #tpu.memory_space<vmem>>
      %dma_start3A_104 = arith.constant 0 : i32
      %dma_start3A_105 = arith.constant 0 : i32
      %dma_start3A_106 = tpu.memref_slice %arg3[%dma_start3A_104, %dma_start3A_105] : memref<1000000x64xbf16, #tpu.memory_space<hbm>> -> memref<1000000x64xbf16, #tpu.memory_space<hbm>>
      tpu.enqueue_indirect_dma source(%dma_start3A_106 : memref<1000000x64xbf16, #tpu.memory_space<hbm>>) target(%dma_start3A_100 : memref<128x64xbf16, #tpu.memory_space<vmem>>) offsets(%dma_start3A_103 : memref<128xi32, #tpu.memory_space<vmem>>) semaphore(%arg9 : memref<!tpu.dma_semaphore, #tpu.memory_space<semaphore_mem>>)
      %dma_start3A_107 = arith.constant 8 : i32
      %dma_start3A_108 = arith.constant 1024 : i32
      %dma_start3A_109 = arith.constant 0 : i32
      %dma_start3A_110 = tpu.memref_slice %arg7[%dma_start3A_108, %dma_start3A_109] : memref<3200x64xbf16, #tpu.memory_space<vmem>> -> memref<128x64xbf16, #tpu.memory_space<vmem>>
      %dma_start3A_111 = arith.constant 0 : i32
      %dma_start3A_112 = tpu.memref_slice %arg6[%dma_start3A_107, %dma_start3A_111] : memref<25x128xi32, #tpu.memory_space<vmem>> -> memref<1x128xi32, #tpu.memory_space<vmem>>
      %dma_start3A_113 = tpu.memref_squeeze %dma_start3A_112 : memref<1x128xi32, #tpu.memory_space<vmem>> -> memref<128xi32, #tpu.memory_space<vmem>>
      %dma_start3A_114 = arith.constant 0 : i32
      %dma_start3A_115 = arith.constant 0 : i32
      %dma_start3A_116 = tpu.memref_slice %arg3[%dma_start3A_114, %dma_start3A_115] : memref<1000000x64xbf16, #tpu.memory_space<hbm>> -> memref<1000000x64xbf16, #tpu.memory_space<hbm>>
      tpu.enqueue_indirect_dma source(%dma_start3A_116 : memref<1000000x64xbf16, #tpu.memory_space<hbm>>) target(%dma_start3A_110 : memref<128x64xbf16, #tpu.memory_space<vmem>>) offsets(%dma_start3A_113 : memref<128xi32, #tpu.memory_space<vmem>>) semaphore(%arg9 : memref<!tpu.dma_semaphore, #tpu.memory_space<semaphore_mem>>)
      %dma_start3A_117 = arith.constant 9 : i32
      %dma_start3A_118 = arith.constant 1152 : i32
      %dma_start3A_119 = arith.constant 0 : i32
      %dma_start3A_120 = tpu.memref_slice %arg7[%dma_start3A_118, %dma_start3A_119] : memref<3200x64xbf16, #tpu.memory_space<vmem>> -> memref<128x64xbf16, #tpu.memory_space<vmem>>
      %dma_start3A_121 = arith.constant 0 : i32
      %dma_start3A_122 = tpu.memref_slice %arg6[%dma_start3A_117, %dma_start3A_121] : memref<25x128xi32, #tpu.memory_space<vmem>> -> memref<1x128xi32, #tpu.memory_space<vmem>>
      %dma_start3A_123 = tpu.memref_squeeze %dma_start3A_122 : memref<1x128xi32, #tpu.memory_space<vmem>> -> memref<128xi32, #tpu.memory_space<vmem>>
      %dma_start3A_124 = arith.constant 0 : i32
      %dma_start3A_125 = arith.constant 0 : i32
      %dma_start3A_126 = tpu.memref_slice %arg3[%dma_start3A_124, %dma_start3A_125] : memref<1000000x64xbf16, #tpu.memory_space<hbm>> -> memref<1000000x64xbf16, #tpu.memory_space<hbm>>
      tpu.enqueue_indirect_dma source(%dma_start3A_126 : memref<1000000x64xbf16, #tpu.memory_space<hbm>>) target(%dma_start3A_120 : memref<128x64xbf16, #tpu.memory_space<vmem>>) offsets(%dma_start3A_123 : memref<128xi32, #tpu.memory_space<vmem>>) semaphore(%arg9 : memref<!tpu.dma_semaphore, #tpu.memory_space<semaphore_mem>>)
      %dma_start3A_127 = arith.constant 10 : i32
      %dma_start3A_128 = arith.constant 1280 : i32
      %dma_start3A_129 = arith.constant 0 : i32
      %dma_start3A_130 = tpu.memref_slice %arg7[%dma_start3A_128, %dma_start3A_129] : memref<3200x64xbf16, #tpu.memory_space<vmem>> -> memref<128x64xbf16, #tpu.memory_space<vmem>>
      %dma_start3A_131 = arith.constant 0 : i32
      %dma_start3A_132 = tpu.memref_slice %arg6[%dma_start3A_127, %dma_start3A_131] : memref<25x128xi32, #tpu.memory_space<vmem>> -> memref<1x128xi32, #tpu.memory_space<vmem>>
      %dma_start3A_133 = tpu.memref_squeeze %dma_start3A_132 : memref<1x128xi32, #tpu.memory_space<vmem>> -> memref<128xi32, #tpu.memory_space<vmem>>
      %dma_start3A_134 = arith.constant 0 : i32
      %dma_start3A_135 = arith.constant 0 : i32
      %dma_start3A_136 = tpu.memref_slice %arg3[%dma_start3A_134, %dma_start3A_135] : memref<1000000x64xbf16, #tpu.memory_space<hbm>> -> memref<1000000x64xbf16, #tpu.memory_space<hbm>>
      tpu.enqueue_indirect_dma source(%dma_start3A_136 : memref<1000000x64xbf16, #tpu.memory_space<hbm>>) target(%dma_start3A_130 : memref<128x64xbf16, #tpu.memory_space<vmem>>) offsets(%dma_start3A_133 : memref<128xi32, #tpu.memory_space<vmem>>) semaphore(%arg9 : memref<!tpu.dma_semaphore, #tpu.memory_space<semaphore_mem>>)
      %dma_start3A_137 = arith.constant 11 : i32
      %dma_start3A_138 = arith.constant 1408 : i32
      %dma_start3A_139 = arith.constant 0 : i32
      %dma_start3A_140 = tpu.memref_slice %arg7[%dma_start3A_138, %dma_start3A_139] : memref<3200x64xbf16, #tpu.memory_space<vmem>> -> memref<128x64xbf16, #tpu.memory_space<vmem>>
      %dma_start3A_141 = arith.constant 0 : i32
      %dma_start3A_142 = tpu.memref_slice %arg6[%dma_start3A_137, %dma_start3A_141] : memref<25x128xi32, #tpu.memory_space<vmem>> -> memref<1x128xi32, #tpu.memory_space<vmem>>
      %dma_start3A_143 = tpu.memref_squeeze %dma_start3A_142 : memref<1x128xi32, #tpu.memory_space<vmem>> -> memref<128xi32, #tpu.memory_space<vmem>>
      %dma_start3A_144 = arith.constant 0 : i32
      %dma_start3A_145 = arith.constant 0 : i32
      %dma_start3A_146 = tpu.memref_slice %arg3[%dma_start3A_144, %dma_start3A_145] : memref<1000000x64xbf16, #tpu.memory_space<hbm>> -> memref<1000000x64xbf16, #tpu.memory_space<hbm>>
      tpu.enqueue_indirect_dma source(%dma_start3A_146 : memref<1000000x64xbf16, #tpu.memory_space<hbm>>) target(%dma_start3A_140 : memref<128x64xbf16, #tpu.memory_space<vmem>>) offsets(%dma_start3A_143 : memref<128xi32, #tpu.memory_space<vmem>>) semaphore(%arg9 : memref<!tpu.dma_semaphore, #tpu.memory_space<semaphore_mem>>)
      %dma_start3A_147 = arith.constant 12 : i32
      %dma_start3A_148 = arith.constant 1536 : i32
      %dma_start3A_149 = arith.constant 0 : i32
      %dma_start3A_150 = tpu.memref_slice %arg7[%dma_start3A_148, %dma_start3A_149] : memref<3200x64xbf16, #tpu.memory_space<vmem>> -> memref<128x64xbf16, #tpu.memory_space<vmem>>
      %dma_start3A_151 = arith.constant 0 : i32
      %dma_start3A_152 = tpu.memref_slice %arg6[%dma_start3A_147, %dma_start3A_151] : memref<25x128xi32, #tpu.memory_space<vmem>> -> memref<1x128xi32, #tpu.memory_space<vmem>>
      %dma_start3A_153 = tpu.memref_squeeze %dma_start3A_152 : memref<1x128xi32, #tpu.memory_space<vmem>> -> memref<128xi32, #tpu.memory_space<vmem>>
      %dma_start3A_154 = arith.constant 0 : i32
      %dma_start3A_155 = arith.constant 0 : i32
      %dma_start3A_156 = tpu.memref_slice %arg3[%dma_start3A_154, %dma_start3A_155] : memref<1000000x64xbf16, #tpu.memory_space<hbm>> -> memref<1000000x64xbf16, #tpu.memory_space<hbm>>
      tpu.enqueue_indirect_dma source(%dma_start3A_156 : memref<1000000x64xbf16, #tpu.memory_space<hbm>>) target(%dma_start3A_150 : memref<128x64xbf16, #tpu.memory_space<vmem>>) offsets(%dma_start3A_153 : memref<128xi32, #tpu.memory_space<vmem>>) semaphore(%arg9 : memref<!tpu.dma_semaphore, #tpu.memory_space<semaphore_mem>>)
      %dma_start3A_157 = arith.constant 13 : i32
      %dma_start3A_158 = arith.constant 1664 : i32
      %dma_start3A_159 = arith.constant 0 : i32
      %dma_start3A_160 = tpu.memref_slice %arg7[%dma_start3A_158, %dma_start3A_159] : memref<3200x64xbf16, #tpu.memory_space<vmem>> -> memref<128x64xbf16, #tpu.memory_space<vmem>>
      %dma_start3A_161 = arith.constant 0 : i32
      %dma_start3A_162 = tpu.memref_slice %arg6[%dma_start3A_157, %dma_start3A_161] : memref<25x128xi32, #tpu.memory_space<vmem>> -> memref<1x128xi32, #tpu.memory_space<vmem>>
      %dma_start3A_163 = tpu.memref_squeeze %dma_start3A_162 : memref<1x128xi32, #tpu.memory_space<vmem>> -> memref<128xi32, #tpu.memory_space<vmem>>
      %dma_start3A_164 = arith.constant 0 : i32
      %dma_start3A_165 = arith.constant 0 : i32
      %dma_start3A_166 = tpu.memref_slice %arg3[%dma_start3A_164, %dma_start3A_165] : memref<1000000x64xbf16, #tpu.memory_space<hbm>> -> memref<1000000x64xbf16, #tpu.memory_space<hbm>>
      tpu.enqueue_indirect_dma source(%dma_start3A_166 : memref<1000000x64xbf16, #tpu.memory_space<hbm>>) target(%dma_start3A_160 : memref<128x64xbf16, #tpu.memory_space<vmem>>) offsets(%dma_start3A_163 : memref<128xi32, #tpu.memory_space<vmem>>) semaphore(%arg9 : memref<!tpu.dma_semaphore, #tpu.memory_space<semaphore_mem>>)
      %dma_start3A_167 = arith.constant 14 : i32
      %dma_start3A_168 = arith.constant 1792 : i32
      %dma_start3A_169 = arith.constant 0 : i32
      %dma_start3A_170 = tpu.memref_slice %arg7[%dma_start3A_168, %dma_start3A_169] : memref<3200x64xbf16, #tpu.memory_space<vmem>> -> memref<128x64xbf16, #tpu.memory_space<vmem>>
      %dma_start3A_171 = arith.constant 0 : i32
      %dma_start3A_172 = tpu.memref_slice %arg6[%dma_start3A_167, %dma_start3A_171] : memref<25x128xi32, #tpu.memory_space<vmem>> -> memref<1x128xi32, #tpu.memory_space<vmem>>
      %dma_start3A_173 = tpu.memref_squeeze %dma_start3A_172 : memref<1x128xi32, #tpu.memory_space<vmem>> -> memref<128xi32, #tpu.memory_space<vmem>>
      %dma_start3A_174 = arith.constant 0 : i32
      %dma_start3A_175 = arith.constant 0 : i32
      %dma_start3A_176 = tpu.memref_slice %arg3[%dma_start3A_174, %dma_start3A_175] : memref<1000000x64xbf16, #tpu.memory_space<hbm>> -> memref<1000000x64xbf16, #tpu.memory_space<hbm>>
      tpu.enqueue_indirect_dma source(%dma_start3A_176 : memref<1000000x64xbf16, #tpu.memory_space<hbm>>) target(%dma_start3A_170 : memref<128x64xbf16, #tpu.memory_space<vmem>>) offsets(%dma_start3A_173 : memref<128xi32, #tpu.memory_space<vmem>>) semaphore(%arg9 : memref<!tpu.dma_semaphore, #tpu.memory_space<semaphore_mem>>)
      %dma_start3A_177 = arith.constant 15 : i32
      %dma_start3A_178 = arith.constant 1920 : i32
      %dma_start3A_179 = arith.constant 0 : i32
      %dma_start3A_180 = tpu.memref_slice %arg7[%dma_start3A_178, %dma_start3A_179] : memref<3200x64xbf16, #tpu.memory_space<vmem>> -> memref<128x64xbf16, #tpu.memory_space<vmem>>
      %dma_start3A_181 = arith.constant 0 : i32
      %dma_start3A_182 = tpu.memref_slice %arg6[%dma_start3A_177, %dma_start3A_181] : memref<25x128xi32, #tpu.memory_space<vmem>> -> memref<1x128xi32, #tpu.memory_space<vmem>>
      %dma_start3A_183 = tpu.memref_squeeze %dma_start3A_182 : memref<1x128xi32, #tpu.memory_space<vmem>> -> memref<128xi32, #tpu.memory_space<vmem>>
      %dma_start3A_184 = arith.constant 0 : i32
      %dma_start3A_185 = arith.constant 0 : i32
      %dma_start3A_186 = tpu.memref_slice %arg3[%dma_start3A_184, %dma_start3A_185] : memref<1000000x64xbf16, #tpu.memory_space<hbm>> -> memref<1000000x64xbf16, #tpu.memory_space<hbm>>
      tpu.enqueue_indirect_dma source(%dma_start3A_186 : memref<1000000x64xbf16, #tpu.memory_space<hbm>>) target(%dma_start3A_180 : memref<128x64xbf16, #tpu.memory_space<vmem>>) offsets(%dma_start3A_183 : memref<128xi32, #tpu.memory_space<vmem>>) semaphore(%arg9 : memref<!tpu.dma_semaphore, #tpu.memory_space<semaphore_mem>>)
      %dma_start3A_187 = arith.constant 16 : i32
      %dma_start3A_188 = arith.constant 2048 : i32
      %dma_start3A_189 = arith.constant 0 : i32
      %dma_start3A_190 = tpu.memref_slice %arg7[%dma_start3A_188, %dma_start3A_189] : memref<3200x64xbf16, #tpu.memory_space<vmem>> -> memref<128x64xbf16, #tpu.memory_space<vmem>>
      %dma_start3A_191 = arith.constant 0 : i32
      %dma_start3A_192 = tpu.memref_slice %arg6[%dma_start3A_187, %dma_start3A_191] : memref<25x128xi32, #tpu.memory_space<vmem>> -> memref<1x128xi32, #tpu.memory_space<vmem>>
      %dma_start3A_193 = tpu.memref_squeeze %dma_start3A_192 : memref<1x128xi32, #tpu.memory_space<vmem>> -> memref<128xi32, #tpu.memory_space<vmem>>
      %dma_start3A_194 = arith.constant 0 : i32
      %dma_start3A_195 = arith.constant 0 : i32
      %dma_start3A_196 = tpu.memref_slice %arg3[%dma_start3A_194, %dma_start3A_195] : memref<1000000x64xbf16, #tpu.memory_space<hbm>> -> memref<1000000x64xbf16, #tpu.memory_space<hbm>>
      tpu.enqueue_indirect_dma source(%dma_start3A_196 : memref<1000000x64xbf16, #tpu.memory_space<hbm>>) target(%dma_start3A_190 : memref<128x64xbf16, #tpu.memory_space<vmem>>) offsets(%dma_start3A_193 : memref<128xi32, #tpu.memory_space<vmem>>) semaphore(%arg9 : memref<!tpu.dma_semaphore, #tpu.memory_space<semaphore_mem>>)
      %dma_start3A_197 = arith.constant 17 : i32
      %dma_start3A_198 = arith.constant 2176 : i32
      %dma_start3A_199 = arith.constant 0 : i32
      %dma_start3A_200 = tpu.memref_slice %arg7[%dma_start3A_198, %dma_start3A_199] : memref<3200x64xbf16, #tpu.memory_space<vmem>> -> memref<128x64xbf16, #tpu.memory_space<vmem>>
      %dma_start3A_201 = arith.constant 0 : i32
      %dma_start3A_202 = tpu.memref_slice %arg6[%dma_start3A_197, %dma_start3A_201] : memref<25x128xi32, #tpu.memory_space<vmem>> -> memref<1x128xi32, #tpu.memory_space<vmem>>
      %dma_start3A_203 = tpu.memref_squeeze %dma_start3A_202 : memref<1x128xi32, #tpu.memory_space<vmem>> -> memref<128xi32, #tpu.memory_space<vmem>>
      %dma_start3A_204 = arith.constant 0 : i32
      %dma_start3A_205 = arith.constant 0 : i32
      %dma_start3A_206 = tpu.memref_slice %arg3[%dma_start3A_204, %dma_start3A_205] : memref<1000000x64xbf16, #tpu.memory_space<hbm>> -> memref<1000000x64xbf16, #tpu.memory_space<hbm>>
      tpu.enqueue_indirect_dma source(%dma_start3A_206 : memref<1000000x64xbf16, #tpu.memory_space<hbm>>) target(%dma_start3A_200 : memref<128x64xbf16, #tpu.memory_space<vmem>>) offsets(%dma_start3A_203 : memref<128xi32, #tpu.memory_space<vmem>>) semaphore(%arg9 : memref<!tpu.dma_semaphore, #tpu.memory_space<semaphore_mem>>)
      %dma_start3A_207 = arith.constant 18 : i32
      %dma_start3A_208 = arith.constant 2304 : i32
      %dma_start3A_209 = arith.constant 0 : i32
      %dma_start3A_210 = tpu.memref_slice %arg7[%dma_start3A_208, %dma_start3A_209] : memref<3200x64xbf16, #tpu.memory_space<vmem>> -> memref<128x64xbf16, #tpu.memory_space<vmem>>
      %dma_start3A_211 = arith.constant 0 : i32
      %dma_start3A_212 = tpu.memref_slice %arg6[%dma_start3A_207, %dma_start3A_211] : memref<25x128xi32, #tpu.memory_space<vmem>> -> memref<1x128xi32, #tpu.memory_space<vmem>>
      %dma_start3A_213 = tpu.memref_squeeze %dma_start3A_212 : memref<1x128xi32, #tpu.memory_space<vmem>> -> memref<128xi32, #tpu.memory_space<vmem>>
      %dma_start3A_214 = arith.constant 0 : i32
      %dma_start3A_215 = arith.constant 0 : i32
      %dma_start3A_216 = tpu.memref_slice %arg3[%dma_start3A_214, %dma_start3A_215] : memref<1000000x64xbf16, #tpu.memory_space<hbm>> -> memref<1000000x64xbf16, #tpu.memory_space<hbm>>
      tpu.enqueue_indirect_dma source(%dma_start3A_216 : memref<1000000x64xbf16, #tpu.memory_space<hbm>>) target(%dma_start3A_210 : memref<128x64xbf16, #tpu.memory_space<vmem>>) offsets(%dma_start3A_213 : memref<128xi32, #tpu.memory_space<vmem>>) semaphore(%arg9 : memref<!tpu.dma_semaphore, #tpu.memory_space<semaphore_mem>>)
      %dma_start3A_217 = arith.constant 19 : i32
      %dma_start3A_218 = arith.constant 2432 : i32
      %dma_start3A_219 = arith.constant 0 : i32
      %dma_start3A_220 = tpu.memref_slice %arg7[%dma_start3A_218, %dma_start3A_219] : memref<3200x64xbf16, #tpu.memory_space<vmem>> -> memref<128x64xbf16, #tpu.memory_space<vmem>>
      %dma_start3A_221 = arith.constant 0 : i32
      %dma_start3A_222 = tpu.memref_slice %arg6[%dma_start3A_217, %dma_start3A_221] : memref<25x128xi32, #tpu.memory_space<vmem>> -> memref<1x128xi32, #tpu.memory_space<vmem>>
      %dma_start3A_223 = tpu.memref_squeeze %dma_start3A_222 : memref<1x128xi32, #tpu.memory_space<vmem>> -> memref<128xi32, #tpu.memory_space<vmem>>
      %dma_start3A_224 = arith.constant 0 : i32
      %dma_start3A_225 = arith.constant 0 : i32
      %dma_start3A_226 = tpu.memref_slice %arg3[%dma_start3A_224, %dma_start3A_225] : memref<1000000x64xbf16, #tpu.memory_space<hbm>> -> memref<1000000x64xbf16, #tpu.memory_space<hbm>>
      tpu.enqueue_indirect_dma source(%dma_start3A_226 : memref<1000000x64xbf16, #tpu.memory_space<hbm>>) target(%dma_start3A_220 : memref<128x64xbf16, #tpu.memory_space<vmem>>) offsets(%dma_start3A_223 : memref<128xi32, #tpu.memory_space<vmem>>) semaphore(%arg9 : memref<!tpu.dma_semaphore, #tpu.memory_space<semaphore_mem>>)
      %dma_start3A_227 = arith.constant 20 : i32
      %dma_start3A_228 = arith.constant 2560 : i32
      %dma_start3A_229 = arith.constant 0 : i32
      %dma_start3A_230 = tpu.memref_slice %arg7[%dma_start3A_228, %dma_start3A_229] : memref<3200x64xbf16, #tpu.memory_space<vmem>> -> memref<128x64xbf16, #tpu.memory_space<vmem>>
      %dma_start3A_231 = arith.constant 0 : i32
      %dma_start3A_232 = tpu.memref_slice %arg6[%dma_start3A_227, %dma_start3A_231] : memref<25x128xi32, #tpu.memory_space<vmem>> -> memref<1x128xi32, #tpu.memory_space<vmem>>
      %dma_start3A_233 = tpu.memref_squeeze %dma_start3A_232 : memref<1x128xi32, #tpu.memory_space<vmem>> -> memref<128xi32, #tpu.memory_space<vmem>>
      %dma_start3A_234 = arith.constant 0 : i32
      %dma_start3A_235 = arith.constant 0 : i32
      %dma_start3A_236 = tpu.memref_slice %arg3[%dma_start3A_234, %dma_start3A_235] : memref<1000000x64xbf16, #tpu.memory_space<hbm>> -> memref<1000000x64xbf16, #tpu.memory_space<hbm>>
      tpu.enqueue_indirect_dma source(%dma_start3A_236 : memref<1000000x64xbf16, #tpu.memory_space<hbm>>) target(%dma_start3A_230 : memref<128x64xbf16, #tpu.memory_space<vmem>>) offsets(%dma_start3A_233 : memref<128xi32, #tpu.memory_space<vmem>>) semaphore(%arg9 : memref<!tpu.dma_semaphore, #tpu.memory_space<semaphore_mem>>)
      %dma_start3A_237 = arith.constant 21 : i32
      %dma_start3A_238 = arith.constant 2688 : i32
      %dma_start3A_239 = arith.constant 0 : i32
      %dma_start3A_240 = tpu.memref_slice %arg7[%dma_start3A_238, %dma_start3A_239] : memref<3200x64xbf16, #tpu.memory_space<vmem>> -> memref<128x64xbf16, #tpu.memory_space<vmem>>
      %dma_start3A_241 = arith.constant 0 : i32
      %dma_start3A_242 = tpu.memref_slice %arg6[%dma_start3A_237, %dma_start3A_241] : memref<25x128xi32, #tpu.memory_space<vmem>> -> memref<1x128xi32, #tpu.memory_space<vmem>>
      %dma_start3A_243 = tpu.memref_squeeze %dma_start3A_242 : memref<1x128xi32, #tpu.memory_space<vmem>> -> memref<128xi32, #tpu.memory_space<vmem>>
      %dma_start3A_244 = arith.constant 0 : i32
      %dma_start3A_245 = arith.constant 0 : i32
      %dma_start3A_246 = tpu.memref_slice %arg3[%dma_start3A_244, %dma_start3A_245] : memref<1000000x64xbf16, #tpu.memory_space<hbm>> -> memref<1000000x64xbf16, #tpu.memory_space<hbm>>
      tpu.enqueue_indirect_dma source(%dma_start3A_246 : memref<1000000x64xbf16, #tpu.memory_space<hbm>>) target(%dma_start3A_240 : memref<128x64xbf16, #tpu.memory_space<vmem>>) offsets(%dma_start3A_243 : memref<128xi32, #tpu.memory_space<vmem>>) semaphore(%arg9 : memref<!tpu.dma_semaphore, #tpu.memory_space<semaphore_mem>>)
      %dma_start3A_247 = arith.constant 22 : i32
      %dma_start3A_248 = arith.constant 2816 : i32
      %dma_start3A_249 = arith.constant 0 : i32
      %dma_start3A_250 = tpu.memref_slice %arg7[%dma_start3A_248, %dma_start3A_249] : memref<3200x64xbf16, #tpu.memory_space<vmem>> -> memref<128x64xbf16, #tpu.memory_space<vmem>>
      %dma_start3A_251 = arith.constant 0 : i32
      %dma_start3A_252 = tpu.memref_slice %arg6[%dma_start3A_247, %dma_start3A_251] : memref<25x128xi32, #tpu.memory_space<vmem>> -> memref<1x128xi32, #tpu.memory_space<vmem>>
      %dma_start3A_253 = tpu.memref_squeeze %dma_start3A_252 : memref<1x128xi32, #tpu.memory_space<vmem>> -> memref<128xi32, #tpu.memory_space<vmem>>
      %dma_start3A_254 = arith.constant 0 : i32
      %dma_start3A_255 = arith.constant 0 : i32
      %dma_start3A_256 = tpu.memref_slice %arg3[%dma_start3A_254, %dma_start3A_255] : memref<1000000x64xbf16, #tpu.memory_space<hbm>> -> memref<1000000x64xbf16, #tpu.memory_space<hbm>>
      tpu.enqueue_indirect_dma source(%dma_start3A_256 : memref<1000000x64xbf16, #tpu.memory_space<hbm>>) target(%dma_start3A_250 : memref<128x64xbf16, #tpu.memory_space<vmem>>) offsets(%dma_start3A_253 : memref<128xi32, #tpu.memory_space<vmem>>) semaphore(%arg9 : memref<!tpu.dma_semaphore, #tpu.memory_space<semaphore_mem>>)
      %dma_start3A_257 = arith.constant 23 : i32
      %dma_start3A_258 = arith.constant 2944 : i32
      %dma_start3A_259 = arith.constant 0 : i32
      %dma_start3A_260 = tpu.memref_slice %arg7[%dma_start3A_258, %dma_start3A_259] : memref<3200x64xbf16, #tpu.memory_space<vmem>> -> memref<128x64xbf16, #tpu.memory_space<vmem>>
      %dma_start3A_261 = arith.constant 0 : i32
      %dma_start3A_262 = tpu.memref_slice %arg6[%dma_start3A_257, %dma_start3A_261] : memref<25x128xi32, #tpu.memory_space<vmem>> -> memref<1x128xi32, #tpu.memory_space<vmem>>
      %dma_start3A_263 = tpu.memref_squeeze %dma_start3A_262 : memref<1x128xi32, #tpu.memory_space<vmem>> -> memref<128xi32, #tpu.memory_space<vmem>>
      %dma_start3A_264 = arith.constant 0 : i32
      %dma_start3A_265 = arith.constant 0 : i32
      %dma_start3A_266 = tpu.memref_slice %arg3[%dma_start3A_264, %dma_start3A_265] : memref<1000000x64xbf16, #tpu.memory_space<hbm>> -> memref<1000000x64xbf16, #tpu.memory_space<hbm>>
      tpu.enqueue_indirect_dma source(%dma_start3A_266 : memref<1000000x64xbf16, #tpu.memory_space<hbm>>) target(%dma_start3A_260 : memref<128x64xbf16, #tpu.memory_space<vmem>>) offsets(%dma_start3A_263 : memref<128xi32, #tpu.memory_space<vmem>>) semaphore(%arg9 : memref<!tpu.dma_semaphore, #tpu.memory_space<semaphore_mem>>)
      %dma_start3A_267 = arith.constant 24 : i32
      %dma_start3A_268 = arith.constant 3072 : i32
      %dma_start3A_269 = arith.constant 0 : i32
      %dma_start3A_270 = tpu.memref_slice %arg7[%dma_start3A_268, %dma_start3A_269] : memref<3200x64xbf16, #tpu.memory_space<vmem>> -> memref<128x64xbf16, #tpu.memory_space<vmem>>
      %dma_start3A_271 = arith.constant 0 : i32
      %dma_start3A_272 = tpu.memref_slice %arg6[%dma_start3A_267, %dma_start3A_271] : memref<25x128xi32, #tpu.memory_space<vmem>> -> memref<1x128xi32, #tpu.memory_space<vmem>>
      %dma_start3A_273 = tpu.memref_squeeze %dma_start3A_272 : memref<1x128xi32, #tpu.memory_space<vmem>> -> memref<128xi32, #tpu.memory_space<vmem>>
      %dma_start3A_274 = arith.constant 0 : i32
      %dma_start3A_275 = arith.constant 0 : i32
      %dma_start3A_276 = tpu.memref_slice %arg3[%dma_start3A_274, %dma_start3A_275] : memref<1000000x64xbf16, #tpu.memory_space<hbm>> -> memref<1000000x64xbf16, #tpu.memory_space<hbm>>
      tpu.enqueue_indirect_dma source(%dma_start3A_276 : memref<1000000x64xbf16, #tpu.memory_space<hbm>>) target(%dma_start3A_270 : memref<128x64xbf16, #tpu.memory_space<vmem>>) offsets(%dma_start3A_273 : memref<128xi32, #tpu.memory_space<vmem>>) semaphore(%arg9 : memref<!tpu.dma_semaphore, #tpu.memory_space<semaphore_mem>>)
      %dma_wait3A = arith.constant 0 : i32
      %dma_wait3A_277 = arith.constant 0 : i32
      %dma_wait3A_278 = arith.constant 0 : i32
      %dma_wait3A_279 = tpu.memref_slice %arg7[%dma_wait3A_277, %dma_wait3A_278] : memref<3200x64xbf16, #tpu.memory_space<vmem>> -> memref<128x64xbf16, #tpu.memory_space<vmem>>
      %dma_wait3A_280 = arith.constant 0 : i32
      %dma_wait3A_281 = tpu.memref_slice %arg6[%dma_wait3A, %dma_wait3A_280] : memref<25x128xi32, #tpu.memory_space<vmem>> -> memref<1x128xi32, #tpu.memory_space<vmem>>
      %dma_wait3A_282 = tpu.memref_squeeze %dma_wait3A_281 : memref<1x128xi32, #tpu.memory_space<vmem>> -> memref<128xi32, #tpu.memory_space<vmem>>
      %dma_wait3A_283 = arith.constant 0 : i32
      %dma_wait3A_284 = arith.constant 0 : i32
      %dma_wait3A_285 = tpu.memref_slice %arg3[%dma_wait3A_283, %dma_wait3A_284] : memref<1000000x64xbf16, #tpu.memory_space<hbm>> -> memref<1000000x64xbf16, #tpu.memory_space<hbm>>
      tpu.wait_indirect_dma semaphore(%arg9 : memref<!tpu.dma_semaphore, #tpu.memory_space<semaphore_mem>>) src(%dma_wait3A_285 : memref<1000000x64xbf16, #tpu.memory_space<hbm>>) dst(%dma_wait3A_279 : memref<128x64xbf16, #tpu.memory_space<vmem>>)
      %dma_wait3A_286 = arith.constant 1 : i32
      %dma_wait3A_287 = arith.constant 128 : i32
      %dma_wait3A_288 = arith.constant 0 : i32
      %dma_wait3A_289 = tpu.memref_slice %arg7[%dma_wait3A_287, %dma_wait3A_288] : memref<3200x64xbf16, #tpu.memory_space<vmem>> -> memref<128x64xbf16, #tpu.memory_space<vmem>>
      %dma_wait3A_290 = arith.constant 0 : i32
      %dma_wait3A_291 = tpu.memref_slice %arg6[%dma_wait3A_286, %dma_wait3A_290] : memref<25x128xi32, #tpu.memory_space<vmem>> -> memref<1x128xi32, #tpu.memory_space<vmem>>
      %dma_wait3A_292 = tpu.memref_squeeze %dma_wait3A_291 : memref<1x128xi32, #tpu.memory_space<vmem>> -> memref<128xi32, #tpu.memory_space<vmem>>
      %dma_wait3A_293 = arith.constant 0 : i32
      %dma_wait3A_294 = arith.constant 0 : i32
      %dma_wait3A_295 = tpu.memref_slice %arg3[%dma_wait3A_293, %dma_wait3A_294] : memref<1000000x64xbf16, #tpu.memory_space<hbm>> -> memref<1000000x64xbf16, #tpu.memory_space<hbm>>
      tpu.wait_indirect_dma semaphore(%arg9 : memref<!tpu.dma_semaphore, #tpu.memory_space<semaphore_mem>>) src(%dma_wait3A_295 : memref<1000000x64xbf16, #tpu.memory_space<hbm>>) dst(%dma_wait3A_289 : memref<128x64xbf16, #tpu.memory_space<vmem>>)
      %dma_wait3A_296 = arith.constant 2 : i32
      %dma_wait3A_297 = arith.constant 256 : i32
      %dma_wait3A_298 = arith.constant 0 : i32
      %dma_wait3A_299 = tpu.memref_slice %arg7[%dma_wait3A_297, %dma_wait3A_298] : memref<3200x64xbf16, #tpu.memory_space<vmem>> -> memref<128x64xbf16, #tpu.memory_space<vmem>>
      %dma_wait3A_300 = arith.constant 0 : i32
      %dma_wait3A_301 = tpu.memref_slice %arg6[%dma_wait3A_296, %dma_wait3A_300] : memref<25x128xi32, #tpu.memory_space<vmem>> -> memref<1x128xi32, #tpu.memory_space<vmem>>
      %dma_wait3A_302 = tpu.memref_squeeze %dma_wait3A_301 : memref<1x128xi32, #tpu.memory_space<vmem>> -> memref<128xi32, #tpu.memory_space<vmem>>
      %dma_wait3A_303 = arith.constant 0 : i32
      %dma_wait3A_304 = arith.constant 0 : i32
      %dma_wait3A_305 = tpu.memref_slice %arg3[%dma_wait3A_303, %dma_wait3A_304] : memref<1000000x64xbf16, #tpu.memory_space<hbm>> -> memref<1000000x64xbf16, #tpu.memory_space<hbm>>
      tpu.wait_indirect_dma semaphore(%arg9 : memref<!tpu.dma_semaphore, #tpu.memory_space<semaphore_mem>>) src(%dma_wait3A_305 : memref<1000000x64xbf16, #tpu.memory_space<hbm>>) dst(%dma_wait3A_299 : memref<128x64xbf16, #tpu.memory_space<vmem>>)
      %dma_wait3A_306 = arith.constant 3 : i32
      %dma_wait3A_307 = arith.constant 384 : i32
      %dma_wait3A_308 = arith.constant 0 : i32
      %dma_wait3A_309 = tpu.memref_slice %arg7[%dma_wait3A_307, %dma_wait3A_308] : memref<3200x64xbf16, #tpu.memory_space<vmem>> -> memref<128x64xbf16, #tpu.memory_space<vmem>>
      %dma_wait3A_310 = arith.constant 0 : i32
      %dma_wait3A_311 = tpu.memref_slice %arg6[%dma_wait3A_306, %dma_wait3A_310] : memref<25x128xi32, #tpu.memory_space<vmem>> -> memref<1x128xi32, #tpu.memory_space<vmem>>
      %dma_wait3A_312 = tpu.memref_squeeze %dma_wait3A_311 : memref<1x128xi32, #tpu.memory_space<vmem>> -> memref<128xi32, #tpu.memory_space<vmem>>
      %dma_wait3A_313 = arith.constant 0 : i32
      %dma_wait3A_314 = arith.constant 0 : i32
      %dma_wait3A_315 = tpu.memref_slice %arg3[%dma_wait3A_313, %dma_wait3A_314] : memref<1000000x64xbf16, #tpu.memory_space<hbm>> -> memref<1000000x64xbf16, #tpu.memory_space<hbm>>
      tpu.wait_indirect_dma semaphore(%arg9 : memref<!tpu.dma_semaphore, #tpu.memory_space<semaphore_mem>>) src(%dma_wait3A_315 : memref<1000000x64xbf16, #tpu.memory_space<hbm>>) dst(%dma_wait3A_309 : memref<128x64xbf16, #tpu.memory_space<vmem>>)
      %dma_wait3A_316 = arith.constant 4 : i32
      %dma_wait3A_317 = arith.constant 512 : i32
      %dma_wait3A_318 = arith.constant 0 : i32
      %dma_wait3A_319 = tpu.memref_slice %arg7[%dma_wait3A_317, %dma_wait3A_318] : memref<3200x64xbf16, #tpu.memory_space<vmem>> -> memref<128x64xbf16, #tpu.memory_space<vmem>>
      %dma_wait3A_320 = arith.constant 0 : i32
      %dma_wait3A_321 = tpu.memref_slice %arg6[%dma_wait3A_316, %dma_wait3A_320] : memref<25x128xi32, #tpu.memory_space<vmem>> -> memref<1x128xi32, #tpu.memory_space<vmem>>
      %dma_wait3A_322 = tpu.memref_squeeze %dma_wait3A_321 : memref<1x128xi32, #tpu.memory_space<vmem>> -> memref<128xi32, #tpu.memory_space<vmem>>
      %dma_wait3A_323 = arith.constant 0 : i32
      %dma_wait3A_324 = arith.constant 0 : i32
      %dma_wait3A_325 = tpu.memref_slice %arg3[%dma_wait3A_323, %dma_wait3A_324] : memref<1000000x64xbf16, #tpu.memory_space<hbm>> -> memref<1000000x64xbf16, #tpu.memory_space<hbm>>
      tpu.wait_indirect_dma semaphore(%arg9 : memref<!tpu.dma_semaphore, #tpu.memory_space<semaphore_mem>>) src(%dma_wait3A_325 : memref<1000000x64xbf16, #tpu.memory_space<hbm>>) dst(%dma_wait3A_319 : memref<128x64xbf16, #tpu.memory_space<vmem>>)
      %dma_wait3A_326 = arith.constant 5 : i32
      %dma_wait3A_327 = arith.constant 640 : i32
      %dma_wait3A_328 = arith.constant 0 : i32
      %dma_wait3A_329 = tpu.memref_slice %arg7[%dma_wait3A_327, %dma_wait3A_328] : memref<3200x64xbf16, #tpu.memory_space<vmem>> -> memref<128x64xbf16, #tpu.memory_space<vmem>>
      %dma_wait3A_330 = arith.constant 0 : i32
      %dma_wait3A_331 = tpu.memref_slice %arg6[%dma_wait3A_326, %dma_wait3A_330] : memref<25x128xi32, #tpu.memory_space<vmem>> -> memref<1x128xi32, #tpu.memory_space<vmem>>
      %dma_wait3A_332 = tpu.memref_squeeze %dma_wait3A_331 : memref<1x128xi32, #tpu.memory_space<vmem>> -> memref<128xi32, #tpu.memory_space<vmem>>
      %dma_wait3A_333 = arith.constant 0 : i32
      %dma_wait3A_334 = arith.constant 0 : i32
      %dma_wait3A_335 = tpu.memref_slice %arg3[%dma_wait3A_333, %dma_wait3A_334] : memref<1000000x64xbf16, #tpu.memory_space<hbm>> -> memref<1000000x64xbf16, #tpu.memory_space<hbm>>
      tpu.wait_indirect_dma semaphore(%arg9 : memref<!tpu.dma_semaphore, #tpu.memory_space<semaphore_mem>>) src(%dma_wait3A_335 : memref<1000000x64xbf16, #tpu.memory_space<hbm>>) dst(%dma_wait3A_329 : memref<128x64xbf16, #tpu.memory_space<vmem>>)
      %dma_wait3A_336 = arith.constant 6 : i32
      %dma_wait3A_337 = arith.constant 768 : i32
      %dma_wait3A_338 = arith.constant 0 : i32
      %dma_wait3A_339 = tpu.memref_slice %arg7[%dma_wait3A_337, %dma_wait3A_338] : memref<3200x64xbf16, #tpu.memory_space<vmem>> -> memref<128x64xbf16, #tpu.memory_space<vmem>>
      %dma_wait3A_340 = arith.constant 0 : i32
      %dma_wait3A_341 = tpu.memref_slice %arg6[%dma_wait3A_336, %dma_wait3A_340] : memref<25x128xi32, #tpu.memory_space<vmem>> -> memref<1x128xi32, #tpu.memory_space<vmem>>
      %dma_wait3A_342 = tpu.memref_squeeze %dma_wait3A_341 : memref<1x128xi32, #tpu.memory_space<vmem>> -> memref<128xi32, #tpu.memory_space<vmem>>
      %dma_wait3A_343 = arith.constant 0 : i32
      %dma_wait3A_344 = arith.constant 0 : i32
      %dma_wait3A_345 = tpu.memref_slice %arg3[%dma_wait3A_343, %dma_wait3A_344] : memref<1000000x64xbf16, #tpu.memory_space<hbm>> -> memref<1000000x64xbf16, #tpu.memory_space<hbm>>
      tpu.wait_indirect_dma semaphore(%arg9 : memref<!tpu.dma_semaphore, #tpu.memory_space<semaphore_mem>>) src(%dma_wait3A_345 : memref<1000000x64xbf16, #tpu.memory_space<hbm>>) dst(%dma_wait3A_339 : memref<128x64xbf16, #tpu.memory_space<vmem>>)
      %dma_wait3A_346 = arith.constant 7 : i32
      %dma_wait3A_347 = arith.constant 896 : i32
      %dma_wait3A_348 = arith.constant 0 : i32
      %dma_wait3A_349 = tpu.memref_slice %arg7[%dma_wait3A_347, %dma_wait3A_348] : memref<3200x64xbf16, #tpu.memory_space<vmem>> -> memref<128x64xbf16, #tpu.memory_space<vmem>>
      %dma_wait3A_350 = arith.constant 0 : i32
      %dma_wait3A_351 = tpu.memref_slice %arg6[%dma_wait3A_346, %dma_wait3A_350] : memref<25x128xi32, #tpu.memory_space<vmem>> -> memref<1x128xi32, #tpu.memory_space<vmem>>
      %dma_wait3A_352 = tpu.memref_squeeze %dma_wait3A_351 : memref<1x128xi32, #tpu.memory_space<vmem>> -> memref<128xi32, #tpu.memory_space<vmem>>
      %dma_wait3A_353 = arith.constant 0 : i32
      %dma_wait3A_354 = arith.constant 0 : i32
      %dma_wait3A_355 = tpu.memref_slice %arg3[%dma_wait3A_353, %dma_wait3A_354] : memref<1000000x64xbf16, #tpu.memory_space<hbm>> -> memref<1000000x64xbf16, #tpu.memory_space<hbm>>
      tpu.wait_indirect_dma semaphore(%arg9 : memref<!tpu.dma_semaphore, #tpu.memory_space<semaphore_mem>>) src(%dma_wait3A_355 : memref<1000000x64xbf16, #tpu.memory_space<hbm>>) dst(%dma_wait3A_349 : memref<128x64xbf16, #tpu.memory_space<vmem>>)
      %dma_wait3A_356 = arith.constant 8 : i32
      %dma_wait3A_357 = arith.constant 1024 : i32
      %dma_wait3A_358 = arith.constant 0 : i32
      %dma_wait3A_359 = tpu.memref_slice %arg7[%dma_wait3A_357, %dma_wait3A_358] : memref<3200x64xbf16, #tpu.memory_space<vmem>> -> memref<128x64xbf16, #tpu.memory_space<vmem>>
      %dma_wait3A_360 = arith.constant 0 : i32
      %dma_wait3A_361 = tpu.memref_slice %arg6[%dma_wait3A_356, %dma_wait3A_360] : memref<25x128xi32, #tpu.memory_space<vmem>> -> memref<1x128xi32, #tpu.memory_space<vmem>>
      %dma_wait3A_362 = tpu.memref_squeeze %dma_wait3A_361 : memref<1x128xi32, #tpu.memory_space<vmem>> -> memref<128xi32, #tpu.memory_space<vmem>>
      %dma_wait3A_363 = arith.constant 0 : i32
      %dma_wait3A_364 = arith.constant 0 : i32
      %dma_wait3A_365 = tpu.memref_slice %arg3[%dma_wait3A_363, %dma_wait3A_364] : memref<1000000x64xbf16, #tpu.memory_space<hbm>> -> memref<1000000x64xbf16, #tpu.memory_space<hbm>>
      tpu.wait_indirect_dma semaphore(%arg9 : memref<!tpu.dma_semaphore, #tpu.memory_space<semaphore_mem>>) src(%dma_wait3A_365 : memref<1000000x64xbf16, #tpu.memory_space<hbm>>) dst(%dma_wait3A_359 : memref<128x64xbf16, #tpu.memory_space<vmem>>)
      %dma_wait3A_366 = arith.constant 9 : i32
      %dma_wait3A_367 = arith.constant 1152 : i32
      %dma_wait3A_368 = arith.constant 0 : i32
      %dma_wait3A_369 = tpu.memref_slice %arg7[%dma_wait3A_367, %dma_wait3A_368] : memref<3200x64xbf16, #tpu.memory_space<vmem>> -> memref<128x64xbf16, #tpu.memory_space<vmem>>
      %dma_wait3A_370 = arith.constant 0 : i32
      %dma_wait3A_371 = tpu.memref_slice %arg6[%dma_wait3A_366, %dma_wait3A_370] : memref<25x128xi32, #tpu.memory_space<vmem>> -> memref<1x128xi32, #tpu.memory_space<vmem>>
      %dma_wait3A_372 = tpu.memref_squeeze %dma_wait3A_371 : memref<1x128xi32, #tpu.memory_space<vmem>> -> memref<128xi32, #tpu.memory_space<vmem>>
      %dma_wait3A_373 = arith.constant 0 : i32
      %dma_wait3A_374 = arith.constant 0 : i32
      %dma_wait3A_375 = tpu.memref_slice %arg3[%dma_wait3A_373, %dma_wait3A_374] : memref<1000000x64xbf16, #tpu.memory_space<hbm>> -> memref<1000000x64xbf16, #tpu.memory_space<hbm>>
      tpu.wait_indirect_dma semaphore(%arg9 : memref<!tpu.dma_semaphore, #tpu.memory_space<semaphore_mem>>) src(%dma_wait3A_375 : memref<1000000x64xbf16, #tpu.memory_space<hbm>>) dst(%dma_wait3A_369 : memref<128x64xbf16, #tpu.memory_space<vmem>>)
      %dma_wait3A_376 = arith.constant 10 : i32
      %dma_wait3A_377 = arith.constant 1280 : i32
      %dma_wait3A_378 = arith.constant 0 : i32
      %dma_wait3A_379 = tpu.memref_slice %arg7[%dma_wait3A_377, %dma_wait3A_378] : memref<3200x64xbf16, #tpu.memory_space<vmem>> -> memref<128x64xbf16, #tpu.memory_space<vmem>>
      %dma_wait3A_380 = arith.constant 0 : i32
      %dma_wait3A_381 = tpu.memref_slice %arg6[%dma_wait3A_376, %dma_wait3A_380] : memref<25x128xi32, #tpu.memory_space<vmem>> -> memref<1x128xi32, #tpu.memory_space<vmem>>
      %dma_wait3A_382 = tpu.memref_squeeze %dma_wait3A_381 : memref<1x128xi32, #tpu.memory_space<vmem>> -> memref<128xi32, #tpu.memory_space<vmem>>
      %dma_wait3A_383 = arith.constant 0 : i32
      %dma_wait3A_384 = arith.constant 0 : i32
      %dma_wait3A_385 = tpu.memref_slice %arg3[%dma_wait3A_383, %dma_wait3A_384] : memref<1000000x64xbf16, #tpu.memory_space<hbm>> -> memref<1000000x64xbf16, #tpu.memory_space<hbm>>
      tpu.wait_indirect_dma semaphore(%arg9 : memref<!tpu.dma_semaphore, #tpu.memory_space<semaphore_mem>>) src(%dma_wait3A_385 : memref<1000000x64xbf16, #tpu.memory_space<hbm>>) dst(%dma_wait3A_379 : memref<128x64xbf16, #tpu.memory_space<vmem>>)
      %dma_wait3A_386 = arith.constant 11 : i32
      %dma_wait3A_387 = arith.constant 1408 : i32
      %dma_wait3A_388 = arith.constant 0 : i32
      %dma_wait3A_389 = tpu.memref_slice %arg7[%dma_wait3A_387, %dma_wait3A_388] : memref<3200x64xbf16, #tpu.memory_space<vmem>> -> memref<128x64xbf16, #tpu.memory_space<vmem>>
      %dma_wait3A_390 = arith.constant 0 : i32
      %dma_wait3A_391 = tpu.memref_slice %arg6[%dma_wait3A_386, %dma_wait3A_390] : memref<25x128xi32, #tpu.memory_space<vmem>> -> memref<1x128xi32, #tpu.memory_space<vmem>>
      %dma_wait3A_392 = tpu.memref_squeeze %dma_wait3A_391 : memref<1x128xi32, #tpu.memory_space<vmem>> -> memref<128xi32, #tpu.memory_space<vmem>>
      %dma_wait3A_393 = arith.constant 0 : i32
      %dma_wait3A_394 = arith.constant 0 : i32
      %dma_wait3A_395 = tpu.memref_slice %arg3[%dma_wait3A_393, %dma_wait3A_394] : memref<1000000x64xbf16, #tpu.memory_space<hbm>> -> memref<1000000x64xbf16, #tpu.memory_space<hbm>>
      tpu.wait_indirect_dma semaphore(%arg9 : memref<!tpu.dma_semaphore, #tpu.memory_space<semaphore_mem>>) src(%dma_wait3A_395 : memref<1000000x64xbf16, #tpu.memory_space<hbm>>) dst(%dma_wait3A_389 : memref<128x64xbf16, #tpu.memory_space<vmem>>)
      %dma_wait3A_396 = arith.constant 12 : i32
      %dma_wait3A_397 = arith.constant 1536 : i32
      %dma_wait3A_398 = arith.constant 0 : i32
      %dma_wait3A_399 = tpu.memref_slice %arg7[%dma_wait3A_397, %dma_wait3A_398] : memref<3200x64xbf16, #tpu.memory_space<vmem>> -> memref<128x64xbf16, #tpu.memory_space<vmem>>
      %dma_wait3A_400 = arith.constant 0 : i32
      %dma_wait3A_401 = tpu.memref_slice %arg6[%dma_wait3A_396, %dma_wait3A_400] : memref<25x128xi32, #tpu.memory_space<vmem>> -> memref<1x128xi32, #tpu.memory_space<vmem>>
      %dma_wait3A_402 = tpu.memref_squeeze %dma_wait3A_401 : memref<1x128xi32, #tpu.memory_space<vmem>> -> memref<128xi32, #tpu.memory_space<vmem>>
      %dma_wait3A_403 = arith.constant 0 : i32
      %dma_wait3A_404 = arith.constant 0 : i32
      %dma_wait3A_405 = tpu.memref_slice %arg3[%dma_wait3A_403, %dma_wait3A_404] : memref<1000000x64xbf16, #tpu.memory_space<hbm>> -> memref<1000000x64xbf16, #tpu.memory_space<hbm>>
      tpu.wait_indirect_dma semaphore(%arg9 : memref<!tpu.dma_semaphore, #tpu.memory_space<semaphore_mem>>) src(%dma_wait3A_405 : memref<1000000x64xbf16, #tpu.memory_space<hbm>>) dst(%dma_wait3A_399 : memref<128x64xbf16, #tpu.memory_space<vmem>>)
      %dma_wait3A_406 = arith.constant 13 : i32
      %dma_wait3A_407 = arith.constant 1664 : i32
      %dma_wait3A_408 = arith.constant 0 : i32
      %dma_wait3A_409 = tpu.memref_slice %arg7[%dma_wait3A_407, %dma_wait3A_408] : memref<3200x64xbf16, #tpu.memory_space<vmem>> -> memref<128x64xbf16, #tpu.memory_space<vmem>>
      %dma_wait3A_410 = arith.constant 0 : i32
      %dma_wait3A_411 = tpu.memref_slice %arg6[%dma_wait3A_406, %dma_wait3A_410] : memref<25x128xi32, #tpu.memory_space<vmem>> -> memref<1x128xi32, #tpu.memory_space<vmem>>
      %dma_wait3A_412 = tpu.memref_squeeze %dma_wait3A_411 : memref<1x128xi32, #tpu.memory_space<vmem>> -> memref<128xi32, #tpu.memory_space<vmem>>
      %dma_wait3A_413 = arith.constant 0 : i32
      %dma_wait3A_414 = arith.constant 0 : i32
      %dma_wait3A_415 = tpu.memref_slice %arg3[%dma_wait3A_413, %dma_wait3A_414] : memref<1000000x64xbf16, #tpu.memory_space<hbm>> -> memref<1000000x64xbf16, #tpu.memory_space<hbm>>
      tpu.wait_indirect_dma semaphore(%arg9 : memref<!tpu.dma_semaphore, #tpu.memory_space<semaphore_mem>>) src(%dma_wait3A_415 : memref<1000000x64xbf16, #tpu.memory_space<hbm>>) dst(%dma_wait3A_409 : memref<128x64xbf16, #tpu.memory_space<vmem>>)
      %dma_wait3A_416 = arith.constant 14 : i32
      %dma_wait3A_417 = arith.constant 1792 : i32
      %dma_wait3A_418 = arith.constant 0 : i32
      %dma_wait3A_419 = tpu.memref_slice %arg7[%dma_wait3A_417, %dma_wait3A_418] : memref<3200x64xbf16, #tpu.memory_space<vmem>> -> memref<128x64xbf16, #tpu.memory_space<vmem>>
      %dma_wait3A_420 = arith.constant 0 : i32
      %dma_wait3A_421 = tpu.memref_slice %arg6[%dma_wait3A_416, %dma_wait3A_420] : memref<25x128xi32, #tpu.memory_space<vmem>> -> memref<1x128xi32, #tpu.memory_space<vmem>>
      %dma_wait3A_422 = tpu.memref_squeeze %dma_wait3A_421 : memref<1x128xi32, #tpu.memory_space<vmem>> -> memref<128xi32, #tpu.memory_space<vmem>>
      %dma_wait3A_423 = arith.constant 0 : i32
      %dma_wait3A_424 = arith.constant 0 : i32
      %dma_wait3A_425 = tpu.memref_slice %arg3[%dma_wait3A_423, %dma_wait3A_424] : memref<1000000x64xbf16, #tpu.memory_space<hbm>> -> memref<1000000x64xbf16, #tpu.memory_space<hbm>>
      tpu.wait_indirect_dma semaphore(%arg9 : memref<!tpu.dma_semaphore, #tpu.memory_space<semaphore_mem>>) src(%dma_wait3A_425 : memref<1000000x64xbf16, #tpu.memory_space<hbm>>) dst(%dma_wait3A_419 : memref<128x64xbf16, #tpu.memory_space<vmem>>)
      %dma_wait3A_426 = arith.constant 15 : i32
      %dma_wait3A_427 = arith.constant 1920 : i32
      %dma_wait3A_428 = arith.constant 0 : i32
      %dma_wait3A_429 = tpu.memref_slice %arg7[%dma_wait3A_427, %dma_wait3A_428] : memref<3200x64xbf16, #tpu.memory_space<vmem>> -> memref<128x64xbf16, #tpu.memory_space<vmem>>
      %dma_wait3A_430 = arith.constant 0 : i32
      %dma_wait3A_431 = tpu.memref_slice %arg6[%dma_wait3A_426, %dma_wait3A_430] : memref<25x128xi32, #tpu.memory_space<vmem>> -> memref<1x128xi32, #tpu.memory_space<vmem>>
      %dma_wait3A_432 = tpu.memref_squeeze %dma_wait3A_431 : memref<1x128xi32, #tpu.memory_space<vmem>> -> memref<128xi32, #tpu.memory_space<vmem>>
      %dma_wait3A_433 = arith.constant 0 : i32
      %dma_wait3A_434 = arith.constant 0 : i32
      %dma_wait3A_435 = tpu.memref_slice %arg3[%dma_wait3A_433, %dma_wait3A_434] : memref<1000000x64xbf16, #tpu.memory_space<hbm>> -> memref<1000000x64xbf16, #tpu.memory_space<hbm>>
      tpu.wait_indirect_dma semaphore(%arg9 : memref<!tpu.dma_semaphore, #tpu.memory_space<semaphore_mem>>) src(%dma_wait3A_435 : memref<1000000x64xbf16, #tpu.memory_space<hbm>>) dst(%dma_wait3A_429 : memref<128x64xbf16, #tpu.memory_space<vmem>>)
      %dma_wait3A_436 = arith.constant 16 : i32
      %dma_wait3A_437 = arith.constant 2048 : i32
      %dma_wait3A_438 = arith.constant 0 : i32
      %dma_wait3A_439 = tpu.memref_slice %arg7[%dma_wait3A_437, %dma_wait3A_438] : memref<3200x64xbf16, #tpu.memory_space<vmem>> -> memref<128x64xbf16, #tpu.memory_space<vmem>>
      %dma_wait3A_440 = arith.constant 0 : i32
      %dma_wait3A_441 = tpu.memref_slice %arg6[%dma_wait3A_436, %dma_wait3A_440] : memref<25x128xi32, #tpu.memory_space<vmem>> -> memref<1x128xi32, #tpu.memory_space<vmem>>
      %dma_wait3A_442 = tpu.memref_squeeze %dma_wait3A_441 : memref<1x128xi32, #tpu.memory_space<vmem>> -> memref<128xi32, #tpu.memory_space<vmem>>
      %dma_wait3A_443 = arith.constant 0 : i32
      %dma_wait3A_444 = arith.constant 0 : i32
      %dma_wait3A_445 = tpu.memref_slice %arg3[%dma_wait3A_443, %dma_wait3A_444] : memref<1000000x64xbf16, #tpu.memory_space<hbm>> -> memref<1000000x64xbf16, #tpu.memory_space<hbm>>
      tpu.wait_indirect_dma semaphore(%arg9 : memref<!tpu.dma_semaphore, #tpu.memory_space<semaphore_mem>>) src(%dma_wait3A_445 : memref<1000000x64xbf16, #tpu.memory_space<hbm>>) dst(%dma_wait3A_439 : memref<128x64xbf16, #tpu.memory_space<vmem>>)
      %dma_wait3A_446 = arith.constant 17 : i32
      %dma_wait3A_447 = arith.constant 2176 : i32
      %dma_wait3A_448 = arith.constant 0 : i32
      %dma_wait3A_449 = tpu.memref_slice %arg7[%dma_wait3A_447, %dma_wait3A_448] : memref<3200x64xbf16, #tpu.memory_space<vmem>> -> memref<128x64xbf16, #tpu.memory_space<vmem>>
      %dma_wait3A_450 = arith.constant 0 : i32
      %dma_wait3A_451 = tpu.memref_slice %arg6[%dma_wait3A_446, %dma_wait3A_450] : memref<25x128xi32, #tpu.memory_space<vmem>> -> memref<1x128xi32, #tpu.memory_space<vmem>>
      %dma_wait3A_452 = tpu.memref_squeeze %dma_wait3A_451 : memref<1x128xi32, #tpu.memory_space<vmem>> -> memref<128xi32, #tpu.memory_space<vmem>>
      %dma_wait3A_453 = arith.constant 0 : i32
      %dma_wait3A_454 = arith.constant 0 : i32
      %dma_wait3A_455 = tpu.memref_slice %arg3[%dma_wait3A_453, %dma_wait3A_454] : memref<1000000x64xbf16, #tpu.memory_space<hbm>> -> memref<1000000x64xbf16, #tpu.memory_space<hbm>>
      tpu.wait_indirect_dma semaphore(%arg9 : memref<!tpu.dma_semaphore, #tpu.memory_space<semaphore_mem>>) src(%dma_wait3A_455 : memref<1000000x64xbf16, #tpu.memory_space<hbm>>) dst(%dma_wait3A_449 : memref<128x64xbf16, #tpu.memory_space<vmem>>)
      %dma_wait3A_456 = arith.constant 18 : i32
      %dma_wait3A_457 = arith.constant 2304 : i32
      %dma_wait3A_458 = arith.constant 0 : i32
      %dma_wait3A_459 = tpu.memref_slice %arg7[%dma_wait3A_457, %dma_wait3A_458] : memref<3200x64xbf16, #tpu.memory_space<vmem>> -> memref<128x64xbf16, #tpu.memory_space<vmem>>
      %dma_wait3A_460 = arith.constant 0 : i32
      %dma_wait3A_461 = tpu.memref_slice %arg6[%dma_wait3A_456, %dma_wait3A_460] : memref<25x128xi32, #tpu.memory_space<vmem>> -> memref<1x128xi32, #tpu.memory_space<vmem>>
      %dma_wait3A_462 = tpu.memref_squeeze %dma_wait3A_461 : memref<1x128xi32, #tpu.memory_space<vmem>> -> memref<128xi32, #tpu.memory_space<vmem>>
      %dma_wait3A_463 = arith.constant 0 : i32
      %dma_wait3A_464 = arith.constant 0 : i32
      %dma_wait3A_465 = tpu.memref_slice %arg3[%dma_wait3A_463, %dma_wait3A_464] : memref<1000000x64xbf16, #tpu.memory_space<hbm>> -> memref<1000000x64xbf16, #tpu.memory_space<hbm>>
      tpu.wait_indirect_dma semaphore(%arg9 : memref<!tpu.dma_semaphore, #tpu.memory_space<semaphore_mem>>) src(%dma_wait3A_465 : memref<1000000x64xbf16, #tpu.memory_space<hbm>>) dst(%dma_wait3A_459 : memref<128x64xbf16, #tpu.memory_space<vmem>>)
      %dma_wait3A_466 = arith.constant 19 : i32
      %dma_wait3A_467 = arith.constant 2432 : i32
      %dma_wait3A_468 = arith.constant 0 : i32
      %dma_wait3A_469 = tpu.memref_slice %arg7[%dma_wait3A_467, %dma_wait3A_468] : memref<3200x64xbf16, #tpu.memory_space<vmem>> -> memref<128x64xbf16, #tpu.memory_space<vmem>>
      %dma_wait3A_470 = arith.constant 0 : i32
      %dma_wait3A_471 = tpu.memref_slice %arg6[%dma_wait3A_466, %dma_wait3A_470] : memref<25x128xi32, #tpu.memory_space<vmem>> -> memref<1x128xi32, #tpu.memory_space<vmem>>
      %dma_wait3A_472 = tpu.memref_squeeze %dma_wait3A_471 : memref<1x128xi32, #tpu.memory_space<vmem>> -> memref<128xi32, #tpu.memory_space<vmem>>
      %dma_wait3A_473 = arith.constant 0 : i32
      %dma_wait3A_474 = arith.constant 0 : i32
      %dma_wait3A_475 = tpu.memref_slice %arg3[%dma_wait3A_473, %dma_wait3A_474] : memref<1000000x64xbf16, #tpu.memory_space<hbm>> -> memref<1000000x64xbf16, #tpu.memory_space<hbm>>
      tpu.wait_indirect_dma semaphore(%arg9 : memref<!tpu.dma_semaphore, #tpu.memory_space<semaphore_mem>>) src(%dma_wait3A_475 : memref<1000000x64xbf16, #tpu.memory_space<hbm>>) dst(%dma_wait3A_469 : memref<128x64xbf16, #tpu.memory_space<vmem>>)
      %dma_wait3A_476 = arith.constant 20 : i32
      %dma_wait3A_477 = arith.constant 2560 : i32
      %dma_wait3A_478 = arith.constant 0 : i32
      %dma_wait3A_479 = tpu.memref_slice %arg7[%dma_wait3A_477, %dma_wait3A_478] : memref<3200x64xbf16, #tpu.memory_space<vmem>> -> memref<128x64xbf16, #tpu.memory_space<vmem>>
      %dma_wait3A_480 = arith.constant 0 : i32
      %dma_wait3A_481 = tpu.memref_slice %arg6[%dma_wait3A_476, %dma_wait3A_480] : memref<25x128xi32, #tpu.memory_space<vmem>> -> memref<1x128xi32, #tpu.memory_space<vmem>>
      %dma_wait3A_482 = tpu.memref_squeeze %dma_wait3A_481 : memref<1x128xi32, #tpu.memory_space<vmem>> -> memref<128xi32, #tpu.memory_space<vmem>>
      %dma_wait3A_483 = arith.constant 0 : i32
      %dma_wait3A_484 = arith.constant 0 : i32
      %dma_wait3A_485 = tpu.memref_slice %arg3[%dma_wait3A_483, %dma_wait3A_484] : memref<1000000x64xbf16, #tpu.memory_space<hbm>> -> memref<1000000x64xbf16, #tpu.memory_space<hbm>>
      tpu.wait_indirect_dma semaphore(%arg9 : memref<!tpu.dma_semaphore, #tpu.memory_space<semaphore_mem>>) src(%dma_wait3A_485 : memref<1000000x64xbf16, #tpu.memory_space<hbm>>) dst(%dma_wait3A_479 : memref<128x64xbf16, #tpu.memory_space<vmem>>)
      %dma_wait3A_486 = arith.constant 21 : i32
      %dma_wait3A_487 = arith.constant 2688 : i32
      %dma_wait3A_488 = arith.constant 0 : i32
      %dma_wait3A_489 = tpu.memref_slice %arg7[%dma_wait3A_487, %dma_wait3A_488] : memref<3200x64xbf16, #tpu.memory_space<vmem>> -> memref<128x64xbf16, #tpu.memory_space<vmem>>
      %dma_wait3A_490 = arith.constant 0 : i32
      %dma_wait3A_491 = tpu.memref_slice %arg6[%dma_wait3A_486, %dma_wait3A_490] : memref<25x128xi32, #tpu.memory_space<vmem>> -> memref<1x128xi32, #tpu.memory_space<vmem>>
      %dma_wait3A_492 = tpu.memref_squeeze %dma_wait3A_491 : memref<1x128xi32, #tpu.memory_space<vmem>> -> memref<128xi32, #tpu.memory_space<vmem>>
      %dma_wait3A_493 = arith.constant 0 : i32
      %dma_wait3A_494 = arith.constant 0 : i32
      %dma_wait3A_495 = tpu.memref_slice %arg3[%dma_wait3A_493, %dma_wait3A_494] : memref<1000000x64xbf16, #tpu.memory_space<hbm>> -> memref<1000000x64xbf16, #tpu.memory_space<hbm>>
      tpu.wait_indirect_dma semaphore(%arg9 : memref<!tpu.dma_semaphore, #tpu.memory_space<semaphore_mem>>) src(%dma_wait3A_495 : memref<1000000x64xbf16, #tpu.memory_space<hbm>>) dst(%dma_wait3A_489 : memref<128x64xbf16, #tpu.memory_space<vmem>>)
      %dma_wait3A_496 = arith.constant 22 : i32
      %dma_wait3A_497 = arith.constant 2816 : i32
      %dma_wait3A_498 = arith.constant 0 : i32
      %dma_wait3A_499 = tpu.memref_slice %arg7[%dma_wait3A_497, %dma_wait3A_498] : memref<3200x64xbf16, #tpu.memory_space<vmem>> -> memref<128x64xbf16, #tpu.memory_space<vmem>>
      %dma_wait3A_500 = arith.constant 0 : i32
      %dma_wait3A_501 = tpu.memref_slice %arg6[%dma_wait3A_496, %dma_wait3A_500] : memref<25x128xi32, #tpu.memory_space<vmem>> -> memref<1x128xi32, #tpu.memory_space<vmem>>
      %dma_wait3A_502 = tpu.memref_squeeze %dma_wait3A_501 : memref<1x128xi32, #tpu.memory_space<vmem>> -> memref<128xi32, #tpu.memory_space<vmem>>
      %dma_wait3A_503 = arith.constant 0 : i32
      %dma_wait3A_504 = arith.constant 0 : i32
      %dma_wait3A_505 = tpu.memref_slice %arg3[%dma_wait3A_503, %dma_wait3A_504] : memref<1000000x64xbf16, #tpu.memory_space<hbm>> -> memref<1000000x64xbf16, #tpu.memory_space<hbm>>
      tpu.wait_indirect_dma semaphore(%arg9 : memref<!tpu.dma_semaphore, #tpu.memory_space<semaphore_mem>>) src(%dma_wait3A_505 : memref<1000000x64xbf16, #tpu.memory_space<hbm>>) dst(%dma_wait3A_499 : memref<128x64xbf16, #tpu.memory_space<vmem>>)
      %dma_wait3A_506 = arith.constant 23 : i32
      %dma_wait3A_507 = arith.constant 2944 : i32
      %dma_wait3A_508 = arith.constant 0 : i32
      %dma_wait3A_509 = tpu.memref_slice %arg7[%dma_wait3A_507, %dma_wait3A_508] : memref<3200x64xbf16, #tpu.memory_space<vmem>> -> memref<128x64xbf16, #tpu.memory_space<vmem>>
      %dma_wait3A_510 = arith.constant 0 : i32
      %dma_wait3A_511 = tpu.memref_slice %arg6[%dma_wait3A_506, %dma_wait3A_510] : memref<25x128xi32, #tpu.memory_space<vmem>> -> memref<1x128xi32, #tpu.memory_space<vmem>>
      %dma_wait3A_512 = tpu.memref_squeeze %dma_wait3A_511 : memref<1x128xi32, #tpu.memory_space<vmem>> -> memref<128xi32, #tpu.memory_space<vmem>>
      %dma_wait3A_513 = arith.constant 0 : i32
      %dma_wait3A_514 = arith.constant 0 : i32
      %dma_wait3A_515 = tpu.memref_slice %arg3[%dma_wait3A_513, %dma_wait3A_514] : memref<1000000x64xbf16, #tpu.memory_space<hbm>> -> memref<1000000x64xbf16, #tpu.memory_space<hbm>>
      tpu.wait_indirect_dma semaphore(%arg9 : memref<!tpu.dma_semaphore, #tpu.memory_space<semaphore_mem>>) src(%dma_wait3A_515 : memref<1000000x64xbf16, #tpu.memory_space<hbm>>) dst(%dma_wait3A_509 : memref<128x64xbf16, #tpu.memory_space<vmem>>)
      %dma_wait3A_516 = arith.constant 24 : i32
      %dma_wait3A_517 = arith.constant 3072 : i32
      %dma_wait3A_518 = arith.constant 0 : i32
      %dma_wait3A_519 = tpu.memref_slice %arg7[%dma_wait3A_517, %dma_wait3A_518] : memref<3200x64xbf16, #tpu.memory_space<vmem>> -> memref<128x64xbf16, #tpu.memory_space<vmem>>
      %dma_wait3A_520 = arith.constant 0 : i32
      %dma_wait3A_521 = tpu.memref_slice %arg6[%dma_wait3A_516, %dma_wait3A_520] : memref<25x128xi32, #tpu.memory_space<vmem>> -> memref<1x128xi32, #tpu.memory_space<vmem>>
      %dma_wait3A_522 = tpu.memref_squeeze %dma_wait3A_521 : memref<1x128xi32, #tpu.memory_space<vmem>> -> memref<128xi32, #tpu.memory_space<vmem>>
      %dma_wait3A_523 = arith.constant 0 : i32
      %dma_wait3A_524 = arith.constant 0 : i32
      %dma_wait3A_525 = tpu.memref_slice %arg3[%dma_wait3A_523, %dma_wait3A_524] : memref<1000000x64xbf16, #tpu.memory_space<hbm>> -> memref<1000000x64xbf16, #tpu.memory_space<hbm>>
      tpu.wait_indirect_dma semaphore(%arg9 : memref<!tpu.dma_semaphore, #tpu.memory_space<semaphore_mem>>) src(%dma_wait3A_525 : memref<1000000x64xbf16, #tpu.memory_space<hbm>>) dst(%dma_wait3A_519 : memref<128x64xbf16, #tpu.memory_space<vmem>>)
      %scan3A_526 = arith.constant 0 : i32
      %scan3A_527 = arith.constant 0 : i32
      %scan3A_528 = arith.constant 200 : i32
      %scan3A_529 = arith.addi %scan3A_527, %scan3A_528 : i32
      %scan3A_530 = arith.constant 1 : i32
      scf.for %scan3A_532 = %scan3A_527 to %scan3A_529 step %scan3A_530  : i32 {
        %add3A_533 = arith.constant 0 : i32
        %add3A_534 = arith.addi %add3A_533, %scan3A_532 : i32
        %get3A = arith.index_cast %add3A_534 : i32 to index
        %get3A_535 = arith.constant 0 : index
        %get3A_536 = tpu.vector_load %arg7[%get3A, %get3A_535] {strides = array<i32>} : memref<3200x64xbf16, #tpu.memory_space<vmem>>, vector<1x32xbf16>,
        %get3A_537 = vector.shape_cast %get3A_536 : vector<1x32xbf16> to vector<32xbf16>
        %get3A_538 = arith.index_cast %scan3A_532 : i32 to index
        %get3A_539 = arith.constant 0 : index
        %get3A_540 = tpu.vector_load %arg8[%get3A_538, %get3A_539] {strides = array<i32>} : memref<200x64xbf16, #tpu.memory_space<vmem>>, vector<1x32xbf16>,
        %get3A_541 = vector.shape_cast %get3A_540 : vector<1x32xbf16> to vector<32xbf16>
        %add3A_542 = arith.addf %get3A_537, %get3A_541 : vector<32xbf16>
        %add3A_543 = arith.constant 0 : i32
        %add3A_544 = arith.addi %add3A_543, %scan3A_532 : i32
        %swap3A = arith.index_cast %add3A_544 : i32 to index
        %swap3A_545 = arith.constant 0 : index
        %swap3A_546 = tpu.vector_load %arg7[%swap3A, %swap3A_545] {strides = array<i32>} : memref<3200x64xbf16, #tpu.memory_space<vmem>>, vector<1x32xbf16>,
        %swap3A_547 = vector.shape_cast %swap3A_546 : vector<1x32xbf16> to vector<32xbf16>
        %swap3A_548 = vector.shape_cast %add3A_542 : vector<32xbf16> to vector<1x32xbf16>
        tpu.vector_store %arg7[%swap3A, %swap3A_545], %swap3A_548 {strides = array<i32>} : memref<3200x64xbf16, #tpu.memory_space<vmem>>, vector<1x32xbf16>,
        %add3A_549 = arith.constant 0 : i32
        %add3A_550 = arith.addi %add3A_549, %scan3A_532 : i32
        %get3A_551 = arith.index_cast %add3A_550 : i32 to index
        %get3A_552 = arith.constant 32 : index
        %get3A_553 = tpu.vector_load %arg7[%get3A_551, %get3A_552] {strides = array<i32>} : memref<3200x64xbf16, #tpu.memory_space<vmem>>, vector<1x32xbf16>,
        %get3A_554 = vector.shape_cast %get3A_553 : vector<1x32xbf16> to vector<32xbf16>
        %get3A_555 = arith.index_cast %scan3A_532 : i32 to index
        %get3A_556 = arith.constant 32 : index
        %get3A_557 = tpu.vector_load %arg8[%get3A_555, %get3A_556] {strides = array<i32>} : memref<200x64xbf16, #tpu.memory_space<vmem>>, vector<1x32xbf16>,
        %get3A_558 = vector.shape_cast %get3A_557 : vector<1x32xbf16> to vector<32xbf16>
        %add3A_559 = arith.addf %get3A_554, %get3A_558 : vector<32xbf16>
        %add3A_560 = arith.constant 0 : i32
        %add3A_561 = arith.addi %add3A_560, %scan3A_532 : i32
        %swap3A_562 = arith.index_cast %add3A_561 : i32 to index
        %swap3A_563 = arith.constant 32 : index
        %swap3A_564 = tpu.vector_load %arg7[%swap3A_562, %swap3A_563] {strides = array<i32>} : memref<3200x64xbf16, #tpu.memory_space<vmem>>, vector<1x32xbf16>,
        %swap3A_565 = vector.shape_cast %swap3A_564 : vector<1x32xbf16> to vector<32xbf16>
        %swap3A_566 = vector.shape_cast %add3A_559 : vector<32xbf16> to vector<1x32xbf16>
        tpu.vector_store %arg7[%swap3A_562, %swap3A_563], %swap3A_566 {strides = array<i32>} : memref<3200x64xbf16, #tpu.memory_space<vmem>>, vector<1x32xbf16>,
        %add3A_567 = arith.constant 200 : i32
        %add3A_568 = arith.addi %add3A_567, %scan3A_532 : i32
        %get3A_569 = arith.index_cast %add3A_568 : i32 to index
        %get3A_570 = arith.constant 0 : index
        %get3A_571 = tpu.vector_load %arg7[%get3A_569, %get3A_570] {strides = array<i32>} : memref<3200x64xbf16, #tpu.memory_space<vmem>>, vector<1x32xbf16>,
        %get3A_572 = vector.shape_cast %get3A_571 : vector<1x32xbf16> to vector<32xbf16>
        %get3A_573 = arith.index_cast %scan3A_532 : i32 to index
        %get3A_574 = arith.constant 0 : index
        %get3A_575 = tpu.vector_load %arg8[%get3A_573, %get3A_574] {strides = array<i32>} : memref<200x64xbf16, #tpu.memory_space<vmem>>, vector<1x32xbf16>,
        %get3A_576 = vector.shape_cast %get3A_575 : vector<1x32xbf16> to vector<32xbf16>
        %add3A_577 = arith.addf %get3A_572, %get3A_576 : vector<32xbf16>
        %add3A_578 = arith.constant 200 : i32
        %add3A_579 = arith.addi %add3A_578, %scan3A_532 : i32
        %swap3A_580 = arith.index_cast %add3A_579 : i32 to index
        %swap3A_581 = arith.constant 0 : index
        %swap3A_582 = tpu.vector_load %arg7[%swap3A_580, %swap3A_581] {strides = array<i32>} : memref<3200x64xbf16, #tpu.memory_space<vmem>>, vector<1x32xbf16>,
        %swap3A_583 = vector.shape_cast %swap3A_582 : vector<1x32xbf16> to vector<32xbf16>
        %swap3A_584 = vector.shape_cast %add3A_577 : vector<32xbf16> to vector<1x32xbf16>
        tpu.vector_store %arg7[%swap3A_580, %swap3A_581], %swap3A_584 {strides = array<i32>} : memref<3200x64xbf16, #tpu.memory_space<vmem>>, vector<1x32xbf16>,
        %add3A_585 = arith.constant 200 : i32
        %add3A_586 = arith.addi %add3A_585, %scan3A_532 : i32
        %get3A_587 = arith.index_cast %add3A_586 : i32 to index
        %get3A_588 = arith.constant 32 : index
        %get3A_589 = tpu.vector_load %arg7[%get3A_587, %get3A_588] {strides = array<i32>} : memref<3200x64xbf16, #tpu.memory_space<vmem>>, vector<1x32xbf16>,
        %get3A_590 = vector.shape_cast %get3A_589 : vector<1x32xbf16> to vector<32xbf16>
        %get3A_591 = arith.index_cast %scan3A_532 : i32 to index
        %get3A_592 = arith.constant 32 : index
        %get3A_593 = tpu.vector_load %arg8[%get3A_591, %get3A_592] {strides = array<i32>} : memref<200x64xbf16, #tpu.memory_space<vmem>>, vector<1x32xbf16>,
        %get3A_594 = vector.shape_cast %get3A_593 : vector<1x32xbf16> to vector<32xbf16>
        %add3A_595 = arith.addf %get3A_590, %get3A_594 : vector<32xbf16>
        %add3A_596 = arith.constant 200 : i32
        %add3A_597 = arith.addi %add3A_596, %scan3A_532 : i32
        %swap3A_598 = arith.index_cast %add3A_597 : i32 to index
        %swap3A_599 = arith.constant 32 : index
        %swap3A_600 = tpu.vector_load %arg7[%swap3A_598, %swap3A_599] {strides = array<i32>} : memref<3200x64xbf16, #tpu.memory_space<vmem>>, vector<1x32xbf16>,
        %swap3A_601 = vector.shape_cast %swap3A_600 : vector<1x32xbf16> to vector<32xbf16>
        %swap3A_602 = vector.shape_cast %add3A_595 : vector<32xbf16> to vector<1x32xbf16>
        tpu.vector_store %arg7[%swap3A_598, %swap3A_599], %swap3A_602 {strides = array<i32>} : memref<3200x64xbf16, #tpu.memory_space<vmem>>, vector<1x32xbf16>,
        %add3A_603 = arith.constant 400 : i32
        %add3A_604 = arith.addi %add3A_603, %scan3A_532 : i32
        %get3A_605 = arith.index_cast %add3A_604 : i32 to index
        %get3A_606 = arith.constant 0 : index
        %get3A_607 = tpu.vector_load %arg7[%get3A_605, %get3A_606] {strides = array<i32>} : memref<3200x64xbf16, #tpu.memory_space<vmem>>, vector<1x32xbf16>,
        %get3A_608 = vector.shape_cast %get3A_607 : vector<1x32xbf16> to vector<32xbf16>
        %get3A_609 = arith.index_cast %scan3A_532 : i32 to index
        %get3A_610 = arith.constant 0 : index
        %get3A_611 = tpu.vector_load %arg8[%get3A_609, %get3A_610] {strides = array<i32>} : memref<200x64xbf16, #tpu.memory_space<vmem>>, vector<1x32xbf16>,
        %get3A_612 = vector.shape_cast %get3A_611 : vector<1x32xbf16> to vector<32xbf16>
        %add3A_613 = arith.addf %get3A_608, %get3A_612 : vector<32xbf16>
        %add3A_614 = arith.constant 400 : i32
        %add3A_615 = arith.addi %add3A_614, %scan3A_532 : i32
        %swap3A_616 = arith.index_cast %add3A_615 : i32 to index
        %swap3A_617 = arith.constant 0 : index
        %swap3A_618 = tpu.vector_load %arg7[%swap3A_616, %swap3A_617] {strides = array<i32>} : memref<3200x64xbf16, #tpu.memory_space<vmem>>, vector<1x32xbf16>,
        %swap3A_619 = vector.shape_cast %swap3A_618 : vector<1x32xbf16> to vector<32xbf16>
        %swap3A_620 = vector.shape_cast %add3A_613 : vector<32xbf16> to vector<1x32xbf16>
        tpu.vector_store %arg7[%swap3A_616, %swap3A_617], %swap3A_620 {strides = array<i32>} : memref<3200x64xbf16, #tpu.memory_space<vmem>>, vector<1x32xbf16>,
        %add3A_621 = arith.constant 400 : i32
        %add3A_622 = arith.addi %add3A_621, %scan3A_532 : i32
        %get3A_623 = arith.index_cast %add3A_622 : i32 to index
        %get3A_624 = arith.constant 32 : index
        %get3A_625 = tpu.vector_load %arg7[%get3A_623, %get3A_624] {strides = array<i32>} : memref<3200x64xbf16, #tpu.memory_space<vmem>>, vector<1x32xbf16>,
        %get3A_626 = vector.shape_cast %get3A_625 : vector<1x32xbf16> to vector<32xbf16>
        %get3A_627 = arith.index_cast %scan3A_532 : i32 to index
        %get3A_628 = arith.constant 32 : index
        %get3A_629 = tpu.vector_load %arg8[%get3A_627, %get3A_628] {strides = array<i32>} : memref<200x64xbf16, #tpu.memory_space<vmem>>, vector<1x32xbf16>,
        %get3A_630 = vector.shape_cast %get3A_629 : vector<1x32xbf16> to vector<32xbf16>
        %add3A_631 = arith.addf %get3A_626, %get3A_630 : vector<32xbf16>
        %add3A_632 = arith.constant 400 : i32
        %add3A_633 = arith.addi %add3A_632, %scan3A_532 : i32
        %swap3A_634 = arith.index_cast %add3A_633 : i32 to index
        %swap3A_635 = arith.constant 32 : index
        %swap3A_636 = tpu.vector_load %arg7[%swap3A_634, %swap3A_635] {strides = array<i32>} : memref<3200x64xbf16, #tpu.memory_space<vmem>>, vector<1x32xbf16>,
        %swap3A_637 = vector.shape_cast %swap3A_636 : vector<1x32xbf16> to vector<32xbf16>
        %swap3A_638 = vector.shape_cast %add3A_631 : vector<32xbf16> to vector<1x32xbf16>
        tpu.vector_store %arg7[%swap3A_634, %swap3A_635], %swap3A_638 {strides = array<i32>} : memref<3200x64xbf16, #tpu.memory_space<vmem>>, vector<1x32xbf16>,
        %add3A_639 = arith.constant 600 : i32
        %add3A_640 = arith.addi %add3A_639, %scan3A_532 : i32
        %get3A_641 = arith.index_cast %add3A_640 : i32 to index
        %get3A_642 = arith.constant 0 : index
        %get3A_643 = tpu.vector_load %arg7[%get3A_641, %get3A_642] {strides = array<i32>} : memref<3200x64xbf16, #tpu.memory_space<vmem>>, vector<1x32xbf16>,
        %get3A_644 = vector.shape_cast %get3A_643 : vector<1x32xbf16> to vector<32xbf16>
        %get3A_645 = arith.index_cast %scan3A_532 : i32 to index
        %get3A_646 = arith.constant 0 : index
        %get3A_647 = tpu.vector_load %arg8[%get3A_645, %get3A_646] {strides = array<i32>} : memref<200x64xbf16, #tpu.memory_space<vmem>>, vector<1x32xbf16>,
        %get3A_648 = vector.shape_cast %get3A_647 : vector<1x32xbf16> to vector<32xbf16>
        %add3A_649 = arith.addf %get3A_644, %get3A_648 : vector<32xbf16>
        %add3A_650 = arith.constant 600 : i32
        %add3A_651 = arith.addi %add3A_650, %scan3A_532 : i32
        %swap3A_652 = arith.index_cast %add3A_651 : i32 to index
        %swap3A_653 = arith.constant 0 : index
        %swap3A_654 = tpu.vector_load %arg7[%swap3A_652, %swap3A_653] {strides = array<i32>} : memref<3200x64xbf16, #tpu.memory_space<vmem>>, vector<1x32xbf16>,
        %swap3A_655 = vector.shape_cast %swap3A_654 : vector<1x32xbf16> to vector<32xbf16>
        %swap3A_656 = vector.shape_cast %add3A_649 : vector<32xbf16> to vector<1x32xbf16>
        tpu.vector_store %arg7[%swap3A_652, %swap3A_653], %swap3A_656 {strides = array<i32>} : memref<3200x64xbf16, #tpu.memory_space<vmem>>, vector<1x32xbf16>,
        %add3A_657 = arith.constant 600 : i32
        %add3A_658 = arith.addi %add3A_657, %scan3A_532 : i32
        %get3A_659 = arith.index_cast %add3A_658 : i32 to index
        %get3A_660 = arith.constant 32 : index
        %get3A_661 = tpu.vector_load %arg7[%get3A_659, %get3A_660] {strides = array<i32>} : memref<3200x64xbf16, #tpu.memory_space<vmem>>, vector<1x32xbf16>,
        %get3A_662 = vector.shape_cast %get3A_661 : vector<1x32xbf16> to vector<32xbf16>
        %get3A_663 = arith.index_cast %scan3A_532 : i32 to index
        %get3A_664 = arith.constant 32 : index
        %get3A_665 = tpu.vector_load %arg8[%get3A_663, %get3A_664] {strides = array<i32>} : memref<200x64xbf16, #tpu.memory_space<vmem>>, vector<1x32xbf16>,
        %get3A_666 = vector.shape_cast %get3A_665 : vector<1x32xbf16> to vector<32xbf16>
        %add3A_667 = arith.addf %get3A_662, %get3A_666 : vector<32xbf16>
        %add3A_668 = arith.constant 600 : i32
        %add3A_669 = arith.addi %add3A_668, %scan3A_532 : i32
        %swap3A_670 = arith.index_cast %add3A_669 : i32 to index
        %swap3A_671 = arith.constant 32 : index
        %swap3A_672 = tpu.vector_load %arg7[%swap3A_670, %swap3A_671] {strides = array<i32>} : memref<3200x64xbf16, #tpu.memory_space<vmem>>, vector<1x32xbf16>,
        %swap3A_673 = vector.shape_cast %swap3A_672 : vector<1x32xbf16> to vector<32xbf16>
        %swap3A_674 = vector.shape_cast %add3A_667 : vector<32xbf16> to vector<1x32xbf16>
        tpu.vector_store %arg7[%swap3A_670, %swap3A_671], %swap3A_674 {strides = array<i32>} : memref<3200x64xbf16, #tpu.memory_space<vmem>>, vector<1x32xbf16>,
        %add3A_675 = arith.constant 800 : i32
        %add3A_676 = arith.addi %add3A_675, %scan3A_532 : i32
        %get3A_677 = arith.index_cast %add3A_676 : i32 to index
        %get3A_678 = arith.constant 0 : index
        %get3A_679 = tpu.vector_load %arg7[%get3A_677, %get3A_678] {strides = array<i32>} : memref<3200x64xbf16, #tpu.memory_space<vmem>>, vector<1x32xbf16>,
        %get3A_680 = vector.shape_cast %get3A_679 : vector<1x32xbf16> to vector<32xbf16>
        %get3A_681 = arith.index_cast %scan3A_532 : i32 to index
        %get3A_682 = arith.constant 0 : index
        %get3A_683 = tpu.vector_load %arg8[%get3A_681, %get3A_682] {strides = array<i32>} : memref<200x64xbf16, #tpu.memory_space<vmem>>, vector<1x32xbf16>,
        %get3A_684 = vector.shape_cast %get3A_683 : vector<1x32xbf16> to vector<32xbf16>
        %add3A_685 = arith.addf %get3A_680, %get3A_684 : vector<32xbf16>
        %add3A_686 = arith.constant 800 : i32
        %add3A_687 = arith.addi %add3A_686, %scan3A_532 : i32
        %swap3A_688 = arith.index_cast %add3A_687 : i32 to index
        %swap3A_689 = arith.constant 0 : index
        %swap3A_690 = tpu.vector_load %arg7[%swap3A_688, %swap3A_689] {strides = array<i32>} : memref<3200x64xbf16, #tpu.memory_space<vmem>>, vector<1x32xbf16>,
        %swap3A_691 = vector.shape_cast %swap3A_690 : vector<1x32xbf16> to vector<32xbf16>
        %swap3A_692 = vector.shape_cast %add3A_685 : vector<32xbf16> to vector<1x32xbf16>
        tpu.vector_store %arg7[%swap3A_688, %swap3A_689], %swap3A_692 {strides = array<i32>} : memref<3200x64xbf16, #tpu.memory_space<vmem>>, vector<1x32xbf16>,
        %add3A_693 = arith.constant 800 : i32
        %add3A_694 = arith.addi %add3A_693, %scan3A_532 : i32
        %get3A_695 = arith.index_cast %add3A_694 : i32 to index
        %get3A_696 = arith.constant 32 : index
        %get3A_697 = tpu.vector_load %arg7[%get3A_695, %get3A_696] {strides = array<i32>} : memref<3200x64xbf16, #tpu.memory_space<vmem>>, vector<1x32xbf16>,
        %get3A_698 = vector.shape_cast %get3A_697 : vector<1x32xbf16> to vector<32xbf16>
        %get3A_699 = arith.index_cast %scan3A_532 : i32 to index
        %get3A_700 = arith.constant 32 : index
        %get3A_701 = tpu.vector_load %arg8[%get3A_699, %get3A_700] {strides = array<i32>} : memref<200x64xbf16, #tpu.memory_space<vmem>>, vector<1x32xbf16>,
        %get3A_702 = vector.shape_cast %get3A_701 : vector<1x32xbf16> to vector<32xbf16>
        %add3A_703 = arith.addf %get3A_698, %get3A_702 : vector<32xbf16>
        %add3A_704 = arith.constant 800 : i32
        %add3A_705 = arith.addi %add3A_704, %scan3A_532 : i32
        %swap3A_706 = arith.index_cast %add3A_705 : i32 to index
        %swap3A_707 = arith.constant 32 : index
        %swap3A_708 = tpu.vector_load %arg7[%swap3A_706, %swap3A_707] {strides = array<i32>} : memref<3200x64xbf16, #tpu.memory_space<vmem>>, vector<1x32xbf16>,
        %swap3A_709 = vector.shape_cast %swap3A_708 : vector<1x32xbf16> to vector<32xbf16>
        %swap3A_710 = vector.shape_cast %add3A_703 : vector<32xbf16> to vector<1x32xbf16>
        tpu.vector_store %arg7[%swap3A_706, %swap3A_707], %swap3A_710 {strides = array<i32>} : memref<3200x64xbf16, #tpu.memory_space<vmem>>, vector<1x32xbf16>,
        %add3A_711 = arith.constant 1000 : i32
        %add3A_712 = arith.addi %add3A_711, %scan3A_532 : i32
        %get3A_713 = arith.index_cast %add3A_712 : i32 to index
        %get3A_714 = arith.constant 0 : index
        %get3A_715 = tpu.vector_load %arg7[%get3A_713, %get3A_714] {strides = array<i32>} : memref<3200x64xbf16, #tpu.memory_space<vmem>>, vector<1x32xbf16>,
        %get3A_716 = vector.shape_cast %get3A_715 : vector<1x32xbf16> to vector<32xbf16>
        %get3A_717 = arith.index_cast %scan3A_532 : i32 to index
        %get3A_718 = arith.constant 0 : index
        %get3A_719 = tpu.vector_load %arg8[%get3A_717, %get3A_718] {strides = array<i32>} : memref<200x64xbf16, #tpu.memory_space<vmem>>, vector<1x32xbf16>,
        %get3A_720 = vector.shape_cast %get3A_719 : vector<1x32xbf16> to vector<32xbf16>
        %add3A_721 = arith.addf %get3A_716, %get3A_720 : vector<32xbf16>
        %add3A_722 = arith.constant 1000 : i32
        %add3A_723 = arith.addi %add3A_722, %scan3A_532 : i32
        %swap3A_724 = arith.index_cast %add3A_723 : i32 to index
        %swap3A_725 = arith.constant 0 : index
        %swap3A_726 = tpu.vector_load %arg7[%swap3A_724, %swap3A_725] {strides = array<i32>} : memref<3200x64xbf16, #tpu.memory_space<vmem>>, vector<1x32xbf16>,
        %swap3A_727 = vector.shape_cast %swap3A_726 : vector<1x32xbf16> to vector<32xbf16>
        %swap3A_728 = vector.shape_cast %add3A_721 : vector<32xbf16> to vector<1x32xbf16>
        tpu.vector_store %arg7[%swap3A_724, %swap3A_725], %swap3A_728 {strides = array<i32>} : memref<3200x64xbf16, #tpu.memory_space<vmem>>, vector<1x32xbf16>,
        %add3A_729 = arith.constant 1000 : i32
        %add3A_730 = arith.addi %add3A_729, %scan3A_532 : i32
        %get3A_731 = arith.index_cast %add3A_730 : i32 to index
        %get3A_732 = arith.constant 32 : index
        %get3A_733 = tpu.vector_load %arg7[%get3A_731, %get3A_732] {strides = array<i32>} : memref<3200x64xbf16, #tpu.memory_space<vmem>>, vector<1x32xbf16>,
        %get3A_734 = vector.shape_cast %get3A_733 : vector<1x32xbf16> to vector<32xbf16>
        %get3A_735 = arith.index_cast %scan3A_532 : i32 to index
        %get3A_736 = arith.constant 32 : index
        %get3A_737 = tpu.vector_load %arg8[%get3A_735, %get3A_736] {strides = array<i32>} : memref<200x64xbf16, #tpu.memory_space<vmem>>, vector<1x32xbf16>,
        %get3A_738 = vector.shape_cast %get3A_737 : vector<1x32xbf16> to vector<32xbf16>
        %add3A_739 = arith.addf %get3A_734, %get3A_738 : vector<32xbf16>
        %add3A_740 = arith.constant 1000 : i32
        %add3A_741 = arith.addi %add3A_740, %scan3A_532 : i32
        %swap3A_742 = arith.index_cast %add3A_741 : i32 to index
        %swap3A_743 = arith.constant 32 : index
        %swap3A_744 = tpu.vector_load %arg7[%swap3A_742, %swap3A_743] {strides = array<i32>} : memref<3200x64xbf16, #tpu.memory_space<vmem>>, vector<1x32xbf16>,
        %swap3A_745 = vector.shape_cast %swap3A_744 : vector<1x32xbf16> to vector<32xbf16>
        %swap3A_746 = vector.shape_cast %add3A_739 : vector<32xbf16> to vector<1x32xbf16>
        tpu.vector_store %arg7[%swap3A_742, %swap3A_743], %swap3A_746 {strides = array<i32>} : memref<3200x64xbf16, #tpu.memory_space<vmem>>, vector<1x32xbf16>,
        %add3A_747 = arith.constant 1200 : i32
        %add3A_748 = arith.addi %add3A_747, %scan3A_532 : i32
        %get3A_749 = arith.index_cast %add3A_748 : i32 to index
        %get3A_750 = arith.constant 0 : index
        %get3A_751 = tpu.vector_load %arg7[%get3A_749, %get3A_750] {strides = array<i32>} : memref<3200x64xbf16, #tpu.memory_space<vmem>>, vector<1x32xbf16>,
        %get3A_752 = vector.shape_cast %get3A_751 : vector<1x32xbf16> to vector<32xbf16>
        %get3A_753 = arith.index_cast %scan3A_532 : i32 to index
        %get3A_754 = arith.constant 0 : index
        %get3A_755 = tpu.vector_load %arg8[%get3A_753, %get3A_754] {strides = array<i32>} : memref<200x64xbf16, #tpu.memory_space<vmem>>, vector<1x32xbf16>,
        %get3A_756 = vector.shape_cast %get3A_755 : vector<1x32xbf16> to vector<32xbf16>
        %add3A_757 = arith.addf %get3A_752, %get3A_756 : vector<32xbf16>
        %add3A_758 = arith.constant 1200 : i32
        %add3A_759 = arith.addi %add3A_758, %scan3A_532 : i32
        %swap3A_760 = arith.index_cast %add3A_759 : i32 to index
        %swap3A_761 = arith.constant 0 : index
        %swap3A_762 = tpu.vector_load %arg7[%swap3A_760, %swap3A_761] {strides = array<i32>} : memref<3200x64xbf16, #tpu.memory_space<vmem>>, vector<1x32xbf16>,
        %swap3A_763 = vector.shape_cast %swap3A_762 : vector<1x32xbf16> to vector<32xbf16>
        %swap3A_764 = vector.shape_cast %add3A_757 : vector<32xbf16> to vector<1x32xbf16>
        tpu.vector_store %arg7[%swap3A_760, %swap3A_761], %swap3A_764 {strides = array<i32>} : memref<3200x64xbf16, #tpu.memory_space<vmem>>, vector<1x32xbf16>,
        %add3A_765 = arith.constant 1200 : i32
        %add3A_766 = arith.addi %add3A_765, %scan3A_532 : i32
        %get3A_767 = arith.index_cast %add3A_766 : i32 to index
        %get3A_768 = arith.constant 32 : index
        %get3A_769 = tpu.vector_load %arg7[%get3A_767, %get3A_768] {strides = array<i32>} : memref<3200x64xbf16, #tpu.memory_space<vmem>>, vector<1x32xbf16>,
        %get3A_770 = vector.shape_cast %get3A_769 : vector<1x32xbf16> to vector<32xbf16>
        %get3A_771 = arith.index_cast %scan3A_532 : i32 to index
        %get3A_772 = arith.constant 32 : index
        %get3A_773 = tpu.vector_load %arg8[%get3A_771, %get3A_772] {strides = array<i32>} : memref<200x64xbf16, #tpu.memory_space<vmem>>, vector<1x32xbf16>,
        %get3A_774 = vector.shape_cast %get3A_773 : vector<1x32xbf16> to vector<32xbf16>
        %add3A_775 = arith.addf %get3A_770, %get3A_774 : vector<32xbf16>
        %add3A_776 = arith.constant 1200 : i32
        %add3A_777 = arith.addi %add3A_776, %scan3A_532 : i32
        %swap3A_778 = arith.index_cast %add3A_777 : i32 to index
        %swap3A_779 = arith.constant 32 : index
        %swap3A_780 = tpu.vector_load %arg7[%swap3A_778, %swap3A_779] {strides = array<i32>} : memref<3200x64xbf16, #tpu.memory_space<vmem>>, vector<1x32xbf16>,
        %swap3A_781 = vector.shape_cast %swap3A_780 : vector<1x32xbf16> to vector<32xbf16>
        %swap3A_782 = vector.shape_cast %add3A_775 : vector<32xbf16> to vector<1x32xbf16>
        tpu.vector_store %arg7[%swap3A_778, %swap3A_779], %swap3A_782 {strides = array<i32>} : memref<3200x64xbf16, #tpu.memory_space<vmem>>, vector<1x32xbf16>,
        %add3A_783 = arith.constant 1400 : i32
        %add3A_784 = arith.addi %add3A_783, %scan3A_532 : i32
        %get3A_785 = arith.index_cast %add3A_784 : i32 to index
        %get3A_786 = arith.constant 0 : index
        %get3A_787 = tpu.vector_load %arg7[%get3A_785, %get3A_786] {strides = array<i32>} : memref<3200x64xbf16, #tpu.memory_space<vmem>>, vector<1x32xbf16>,
        %get3A_788 = vector.shape_cast %get3A_787 : vector<1x32xbf16> to vector<32xbf16>
        %get3A_789 = arith.index_cast %scan3A_532 : i32 to index
        %get3A_790 = arith.constant 0 : index
        %get3A_791 = tpu.vector_load %arg8[%get3A_789, %get3A_790] {strides = array<i32>} : memref<200x64xbf16, #tpu.memory_space<vmem>>, vector<1x32xbf16>,
        %get3A_792 = vector.shape_cast %get3A_791 : vector<1x32xbf16> to vector<32xbf16>
        %add3A_793 = arith.addf %get3A_788, %get3A_792 : vector<32xbf16>
        %add3A_794 = arith.constant 1400 : i32
        %add3A_795 = arith.addi %add3A_794, %scan3A_532 : i32
        %swap3A_796 = arith.index_cast %add3A_795 : i32 to index
        %swap3A_797 = arith.constant 0 : index
        %swap3A_798 = tpu.vector_load %arg7[%swap3A_796, %swap3A_797] {strides = array<i32>} : memref<3200x64xbf16, #tpu.memory_space<vmem>>, vector<1x32xbf16>,
        %swap3A_799 = vector.shape_cast %swap3A_798 : vector<1x32xbf16> to vector<32xbf16>
        %swap3A_800 = vector.shape_cast %add3A_793 : vector<32xbf16> to vector<1x32xbf16>
        tpu.vector_store %arg7[%swap3A_796, %swap3A_797], %swap3A_800 {strides = array<i32>} : memref<3200x64xbf16, #tpu.memory_space<vmem>>, vector<1x32xbf16>,
        %add3A_801 = arith.constant 1400 : i32
        %add3A_802 = arith.addi %add3A_801, %scan3A_532 : i32
        %get3A_803 = arith.index_cast %add3A_802 : i32 to index
        %get3A_804 = arith.constant 32 : index
        %get3A_805 = tpu.vector_load %arg7[%get3A_803, %get3A_804] {strides = array<i32>} : memref<3200x64xbf16, #tpu.memory_space<vmem>>, vector<1x32xbf16>,
        %get3A_806 = vector.shape_cast %get3A_805 : vector<1x32xbf16> to vector<32xbf16>
        %get3A_807 = arith.index_cast %scan3A_532 : i32 to index
        %get3A_808 = arith.constant 32 : index
        %get3A_809 = tpu.vector_load %arg8[%get3A_807, %get3A_808] {strides = array<i32>} : memref<200x64xbf16, #tpu.memory_space<vmem>>, vector<1x32xbf16>,
        %get3A_810 = vector.shape_cast %get3A_809 : vector<1x32xbf16> to vector<32xbf16>
        %add3A_811 = arith.addf %get3A_806, %get3A_810 : vector<32xbf16>
        %add3A_812 = arith.constant 1400 : i32
        %add3A_813 = arith.addi %add3A_812, %scan3A_532 : i32
        %swap3A_814 = arith.index_cast %add3A_813 : i32 to index
        %swap3A_815 = arith.constant 32 : index
        %swap3A_816 = tpu.vector_load %arg7[%swap3A_814, %swap3A_815] {strides = array<i32>} : memref<3200x64xbf16, #tpu.memory_space<vmem>>, vector<1x32xbf16>,
        %swap3A_817 = vector.shape_cast %swap3A_816 : vector<1x32xbf16> to vector<32xbf16>
        %swap3A_818 = vector.shape_cast %add3A_811 : vector<32xbf16> to vector<1x32xbf16>
        tpu.vector_store %arg7[%swap3A_814, %swap3A_815], %swap3A_818 {strides = array<i32>} : memref<3200x64xbf16, #tpu.memory_space<vmem>>, vector<1x32xbf16>,
        %add3A_819 = arith.constant 1600 : i32
        %add3A_820 = arith.addi %add3A_819, %scan3A_532 : i32
        %get3A_821 = arith.index_cast %add3A_820 : i32 to index
        %get3A_822 = arith.constant 0 : index
        %get3A_823 = tpu.vector_load %arg7[%get3A_821, %get3A_822] {strides = array<i32>} : memref<3200x64xbf16, #tpu.memory_space<vmem>>, vector<1x32xbf16>,
        %get3A_824 = vector.shape_cast %get3A_823 : vector<1x32xbf16> to vector<32xbf16>
        %get3A_825 = arith.index_cast %scan3A_532 : i32 to index
        %get3A_826 = arith.constant 0 : index
        %get3A_827 = tpu.vector_load %arg8[%get3A_825, %get3A_826] {strides = array<i32>} : memref<200x64xbf16, #tpu.memory_space<vmem>>, vector<1x32xbf16>,
        %get3A_828 = vector.shape_cast %get3A_827 : vector<1x32xbf16> to vector<32xbf16>
        %add3A_829 = arith.addf %get3A_824, %get3A_828 : vector<32xbf16>
        %add3A_830 = arith.constant 1600 : i32
        %add3A_831 = arith.addi %add3A_830, %scan3A_532 : i32
        %swap3A_832 = arith.index_cast %add3A_831 : i32 to index
        %swap3A_833 = arith.constant 0 : index
        %swap3A_834 = tpu.vector_load %arg7[%swap3A_832, %swap3A_833] {strides = array<i32>} : memref<3200x64xbf16, #tpu.memory_space<vmem>>, vector<1x32xbf16>,
        %swap3A_835 = vector.shape_cast %swap3A_834 : vector<1x32xbf16> to vector<32xbf16>
        %swap3A_836 = vector.shape_cast %add3A_829 : vector<32xbf16> to vector<1x32xbf16>
        tpu.vector_store %arg7[%swap3A_832, %swap3A_833], %swap3A_836 {strides = array<i32>} : memref<3200x64xbf16, #tpu.memory_space<vmem>>, vector<1x32xbf16>,
        %add3A_837 = arith.constant 1600 : i32
        %add3A_838 = arith.addi %add3A_837, %scan3A_532 : i32
        %get3A_839 = arith.index_cast %add3A_838 : i32 to index
        %get3A_840 = arith.constant 32 : index
        %get3A_841 = tpu.vector_load %arg7[%get3A_839, %get3A_840] {strides = array<i32>} : memref<3200x64xbf16, #tpu.memory_space<vmem>>, vector<1x32xbf16>,
        %get3A_842 = vector.shape_cast %get3A_841 : vector<1x32xbf16> to vector<32xbf16>
        %get3A_843 = arith.index_cast %scan3A_532 : i32 to index
        %get3A_844 = arith.constant 32 : index
        %get3A_845 = tpu.vector_load %arg8[%get3A_843, %get3A_844] {strides = array<i32>} : memref<200x64xbf16, #tpu.memory_space<vmem>>, vector<1x32xbf16>,
        %get3A_846 = vector.shape_cast %get3A_845 : vector<1x32xbf16> to vector<32xbf16>
        %add3A_847 = arith.addf %get3A_842, %get3A_846 : vector<32xbf16>
        %add3A_848 = arith.constant 1600 : i32
        %add3A_849 = arith.addi %add3A_848, %scan3A_532 : i32
        %swap3A_850 = arith.index_cast %add3A_849 : i32 to index
        %swap3A_851 = arith.constant 32 : index
        %swap3A_852 = tpu.vector_load %arg7[%swap3A_850, %swap3A_851] {strides = array<i32>} : memref<3200x64xbf16, #tpu.memory_space<vmem>>, vector<1x32xbf16>,
        %swap3A_853 = vector.shape_cast %swap3A_852 : vector<1x32xbf16> to vector<32xbf16>
        %swap3A_854 = vector.shape_cast %add3A_847 : vector<32xbf16> to vector<1x32xbf16>
        tpu.vector_store %arg7[%swap3A_850, %swap3A_851], %swap3A_854 {strides = array<i32>} : memref<3200x64xbf16, #tpu.memory_space<vmem>>, vector<1x32xbf16>,
        %add3A_855 = arith.constant 1800 : i32
        %add3A_856 = arith.addi %add3A_855, %scan3A_532 : i32
        %get3A_857 = arith.index_cast %add3A_856 : i32 to index
        %get3A_858 = arith.constant 0 : index
        %get3A_859 = tpu.vector_load %arg7[%get3A_857, %get3A_858] {strides = array<i32>} : memref<3200x64xbf16, #tpu.memory_space<vmem>>, vector<1x32xbf16>,
        %get3A_860 = vector.shape_cast %get3A_859 : vector<1x32xbf16> to vector<32xbf16>
        %get3A_861 = arith.index_cast %scan3A_532 : i32 to index
        %get3A_862 = arith.constant 0 : index
        %get3A_863 = tpu.vector_load %arg8[%get3A_861, %get3A_862] {strides = array<i32>} : memref<200x64xbf16, #tpu.memory_space<vmem>>, vector<1x32xbf16>,
        %get3A_864 = vector.shape_cast %get3A_863 : vector<1x32xbf16> to vector<32xbf16>
        %add3A_865 = arith.addf %get3A_860, %get3A_864 : vector<32xbf16>
        %add3A_866 = arith.constant 1800 : i32
        %add3A_867 = arith.addi %add3A_866, %scan3A_532 : i32
        %swap3A_868 = arith.index_cast %add3A_867 : i32 to index
        %swap3A_869 = arith.constant 0 : index
        %swap3A_870 = tpu.vector_load %arg7[%swap3A_868, %swap3A_869] {strides = array<i32>} : memref<3200x64xbf16, #tpu.memory_space<vmem>>, vector<1x32xbf16>,
        %swap3A_871 = vector.shape_cast %swap3A_870 : vector<1x32xbf16> to vector<32xbf16>
        %swap3A_872 = vector.shape_cast %add3A_865 : vector<32xbf16> to vector<1x32xbf16>
        tpu.vector_store %arg7[%swap3A_868, %swap3A_869], %swap3A_872 {strides = array<i32>} : memref<3200x64xbf16, #tpu.memory_space<vmem>>, vector<1x32xbf16>,
        %add3A_873 = arith.constant 1800 : i32
        %add3A_874 = arith.addi %add3A_873, %scan3A_532 : i32
        %get3A_875 = arith.index_cast %add3A_874 : i32 to index
        %get3A_876 = arith.constant 32 : index
        %get3A_877 = tpu.vector_load %arg7[%get3A_875, %get3A_876] {strides = array<i32>} : memref<3200x64xbf16, #tpu.memory_space<vmem>>, vector<1x32xbf16>,
        %get3A_878 = vector.shape_cast %get3A_877 : vector<1x32xbf16> to vector<32xbf16>
        %get3A_879 = arith.index_cast %scan3A_532 : i32 to index
        %get3A_880 = arith.constant 32 : index
        %get3A_881 = tpu.vector_load %arg8[%get3A_879, %get3A_880] {strides = array<i32>} : memref<200x64xbf16, #tpu.memory_space<vmem>>, vector<1x32xbf16>,
        %get3A_882 = vector.shape_cast %get3A_881 : vector<1x32xbf16> to vector<32xbf16>
        %add3A_883 = arith.addf %get3A_878, %get3A_882 : vector<32xbf16>
        %add3A_884 = arith.constant 1800 : i32
        %add3A_885 = arith.addi %add3A_884, %scan3A_532 : i32
        %swap3A_886 = arith.index_cast %add3A_885 : i32 to index
        %swap3A_887 = arith.constant 32 : index
        %swap3A_888 = tpu.vector_load %arg7[%swap3A_886, %swap3A_887] {strides = array<i32>} : memref<3200x64xbf16, #tpu.memory_space<vmem>>, vector<1x32xbf16>,
        %swap3A_889 = vector.shape_cast %swap3A_888 : vector<1x32xbf16> to vector<32xbf16>
        %swap3A_890 = vector.shape_cast %add3A_883 : vector<32xbf16> to vector<1x32xbf16>
        tpu.vector_store %arg7[%swap3A_886, %swap3A_887], %swap3A_890 {strides = array<i32>} : memref<3200x64xbf16, #tpu.memory_space<vmem>>, vector<1x32xbf16>,
        %add3A_891 = arith.constant 2000 : i32
        %add3A_892 = arith.addi %add3A_891, %scan3A_532 : i32
        %get3A_893 = arith.index_cast %add3A_892 : i32 to index
        %get3A_894 = arith.constant 0 : index
        %get3A_895 = tpu.vector_load %arg7[%get3A_893, %get3A_894] {strides = array<i32>} : memref<3200x64xbf16, #tpu.memory_space<vmem>>, vector<1x32xbf16>,
        %get3A_896 = vector.shape_cast %get3A_895 : vector<1x32xbf16> to vector<32xbf16>
        %get3A_897 = arith.index_cast %scan3A_532 : i32 to index
        %get3A_898 = arith.constant 0 : index
        %get3A_899 = tpu.vector_load %arg8[%get3A_897, %get3A_898] {strides = array<i32>} : memref<200x64xbf16, #tpu.memory_space<vmem>>, vector<1x32xbf16>,
        %get3A_900 = vector.shape_cast %get3A_899 : vector<1x32xbf16> to vector<32xbf16>
        %add3A_901 = arith.addf %get3A_896, %get3A_900 : vector<32xbf16>
        %add3A_902 = arith.constant 2000 : i32
        %add3A_903 = arith.addi %add3A_902, %scan3A_532 : i32
        %swap3A_904 = arith.index_cast %add3A_903 : i32 to index
        %swap3A_905 = arith.constant 0 : index
        %swap3A_906 = tpu.vector_load %arg7[%swap3A_904, %swap3A_905] {strides = array<i32>} : memref<3200x64xbf16, #tpu.memory_space<vmem>>, vector<1x32xbf16>,
        %swap3A_907 = vector.shape_cast %swap3A_906 : vector<1x32xbf16> to vector<32xbf16>
        %swap3A_908 = vector.shape_cast %add3A_901 : vector<32xbf16> to vector<1x32xbf16>
        tpu.vector_store %arg7[%swap3A_904, %swap3A_905], %swap3A_908 {strides = array<i32>} : memref<3200x64xbf16, #tpu.memory_space<vmem>>, vector<1x32xbf16>,
        %add3A_909 = arith.constant 2000 : i32
        %add3A_910 = arith.addi %add3A_909, %scan3A_532 : i32
        %get3A_911 = arith.index_cast %add3A_910 : i32 to index
        %get3A_912 = arith.constant 32 : index
        %get3A_913 = tpu.vector_load %arg7[%get3A_911, %get3A_912] {strides = array<i32>} : memref<3200x64xbf16, #tpu.memory_space<vmem>>, vector<1x32xbf16>,
        %get3A_914 = vector.shape_cast %get3A_913 : vector<1x32xbf16> to vector<32xbf16>
        %get3A_915 = arith.index_cast %scan3A_532 : i32 to index
        %get3A_916 = arith.constant 32 : index
        %get3A_917 = tpu.vector_load %arg8[%get3A_915, %get3A_916] {strides = array<i32>} : memref<200x64xbf16, #tpu.memory_space<vmem>>, vector<1x32xbf16>,
        %get3A_918 = vector.shape_cast %get3A_917 : vector<1x32xbf16> to vector<32xbf16>
        %add3A_919 = arith.addf %get3A_914, %get3A_918 : vector<32xbf16>
        %add3A_920 = arith.constant 2000 : i32
        %add3A_921 = arith.addi %add3A_920, %scan3A_532 : i32
        %swap3A_922 = arith.index_cast %add3A_921 : i32 to index
        %swap3A_923 = arith.constant 32 : index
        %swap3A_924 = tpu.vector_load %arg7[%swap3A_922, %swap3A_923] {strides = array<i32>} : memref<3200x64xbf16, #tpu.memory_space<vmem>>, vector<1x32xbf16>,
        %swap3A_925 = vector.shape_cast %swap3A_924 : vector<1x32xbf16> to vector<32xbf16>
        %swap3A_926 = vector.shape_cast %add3A_919 : vector<32xbf16> to vector<1x32xbf16>
        tpu.vector_store %arg7[%swap3A_922, %swap3A_923], %swap3A_926 {strides = array<i32>} : memref<3200x64xbf16, #tpu.memory_space<vmem>>, vector<1x32xbf16>,
        %add3A_927 = arith.constant 2200 : i32
        %add3A_928 = arith.addi %add3A_927, %scan3A_532 : i32
        %get3A_929 = arith.index_cast %add3A_928 : i32 to index
        %get3A_930 = arith.constant 0 : index
        %get3A_931 = tpu.vector_load %arg7[%get3A_929, %get3A_930] {strides = array<i32>} : memref<3200x64xbf16, #tpu.memory_space<vmem>>, vector<1x32xbf16>,
        %get3A_932 = vector.shape_cast %get3A_931 : vector<1x32xbf16> to vector<32xbf16>
        %get3A_933 = arith.index_cast %scan3A_532 : i32 to index
        %get3A_934 = arith.constant 0 : index
        %get3A_935 = tpu.vector_load %arg8[%get3A_933, %get3A_934] {strides = array<i32>} : memref<200x64xbf16, #tpu.memory_space<vmem>>, vector<1x32xbf16>,
        %get3A_936 = vector.shape_cast %get3A_935 : vector<1x32xbf16> to vector<32xbf16>
        %add3A_937 = arith.addf %get3A_932, %get3A_936 : vector<32xbf16>
        %add3A_938 = arith.constant 2200 : i32
        %add3A_939 = arith.addi %add3A_938, %scan3A_532 : i32
        %swap3A_940 = arith.index_cast %add3A_939 : i32 to index
        %swap3A_941 = arith.constant 0 : index
        %swap3A_942 = tpu.vector_load %arg7[%swap3A_940, %swap3A_941] {strides = array<i32>} : memref<3200x64xbf16, #tpu.memory_space<vmem>>, vector<1x32xbf16>,
        %swap3A_943 = vector.shape_cast %swap3A_942 : vector<1x32xbf16> to vector<32xbf16>
        %swap3A_944 = vector.shape_cast %add3A_937 : vector<32xbf16> to vector<1x32xbf16>
        tpu.vector_store %arg7[%swap3A_940, %swap3A_941], %swap3A_944 {strides = array<i32>} : memref<3200x64xbf16, #tpu.memory_space<vmem>>, vector<1x32xbf16>,
        %add3A_945 = arith.constant 2200 : i32
        %add3A_946 = arith.addi %add3A_945, %scan3A_532 : i32
        %get3A_947 = arith.index_cast %add3A_946 : i32 to index
        %get3A_948 = arith.constant 32 : index
        %get3A_949 = tpu.vector_load %arg7[%get3A_947, %get3A_948] {strides = array<i32>} : memref<3200x64xbf16, #tpu.memory_space<vmem>>, vector<1x32xbf16>,
        %get3A_950 = vector.shape_cast %get3A_949 : vector<1x32xbf16> to vector<32xbf16>
        %get3A_951 = arith.index_cast %scan3A_532 : i32 to index
        %get3A_952 = arith.constant 32 : index
        %get3A_953 = tpu.vector_load %arg8[%get3A_951, %get3A_952] {strides = array<i32>} : memref<200x64xbf16, #tpu.memory_space<vmem>>, vector<1x32xbf16>,
        %get3A_954 = vector.shape_cast %get3A_953 : vector<1x32xbf16> to vector<32xbf16>
        %add3A_955 = arith.addf %get3A_950, %get3A_954 : vector<32xbf16>
        %add3A_956 = arith.constant 2200 : i32
        %add3A_957 = arith.addi %add3A_956, %scan3A_532 : i32
        %swap3A_958 = arith.index_cast %add3A_957 : i32 to index
        %swap3A_959 = arith.constant 32 : index
        %swap3A_960 = tpu.vector_load %arg7[%swap3A_958, %swap3A_959] {strides = array<i32>} : memref<3200x64xbf16, #tpu.memory_space<vmem>>, vector<1x32xbf16>,
        %swap3A_961 = vector.shape_cast %swap3A_960 : vector<1x32xbf16> to vector<32xbf16>
        %swap3A_962 = vector.shape_cast %add3A_955 : vector<32xbf16> to vector<1x32xbf16>
        tpu.vector_store %arg7[%swap3A_958, %swap3A_959], %swap3A_962 {strides = array<i32>} : memref<3200x64xbf16, #tpu.memory_space<vmem>>, vector<1x32xbf16>,
        %add3A_963 = arith.constant 2400 : i32
        %add3A_964 = arith.addi %add3A_963, %scan3A_532 : i32
        %get3A_965 = arith.index_cast %add3A_964 : i32 to index
        %get3A_966 = arith.constant 0 : index
        %get3A_967 = tpu.vector_load %arg7[%get3A_965, %get3A_966] {strides = array<i32>} : memref<3200x64xbf16, #tpu.memory_space<vmem>>, vector<1x32xbf16>,
        %get3A_968 = vector.shape_cast %get3A_967 : vector<1x32xbf16> to vector<32xbf16>
        %get3A_969 = arith.index_cast %scan3A_532 : i32 to index
        %get3A_970 = arith.constant 0 : index
        %get3A_971 = tpu.vector_load %arg8[%get3A_969, %get3A_970] {strides = array<i32>} : memref<200x64xbf16, #tpu.memory_space<vmem>>, vector<1x32xbf16>,
        %get3A_972 = vector.shape_cast %get3A_971 : vector<1x32xbf16> to vector<32xbf16>
        %add3A_973 = arith.addf %get3A_968, %get3A_972 : vector<32xbf16>
        %add3A_974 = arith.constant 2400 : i32
        %add3A_975 = arith.addi %add3A_974, %scan3A_532 : i32
        %swap3A_976 = arith.index_cast %add3A_975 : i32 to index
        %swap3A_977 = arith.constant 0 : index
        %swap3A_978 = tpu.vector_load %arg7[%swap3A_976, %swap3A_977] {strides = array<i32>} : memref<3200x64xbf16, #tpu.memory_space<vmem>>, vector<1x32xbf16>,
        %swap3A_979 = vector.shape_cast %swap3A_978 : vector<1x32xbf16> to vector<32xbf16>
        %swap3A_980 = vector.shape_cast %add3A_973 : vector<32xbf16> to vector<1x32xbf16>
        tpu.vector_store %arg7[%swap3A_976, %swap3A_977], %swap3A_980 {strides = array<i32>} : memref<3200x64xbf16, #tpu.memory_space<vmem>>, vector<1x32xbf16>,
        %add3A_981 = arith.constant 2400 : i32
        %add3A_982 = arith.addi %add3A_981, %scan3A_532 : i32
        %get3A_983 = arith.index_cast %add3A_982 : i32 to index
        %get3A_984 = arith.constant 32 : index
        %get3A_985 = tpu.vector_load %arg7[%get3A_983, %get3A_984] {strides = array<i32>} : memref<3200x64xbf16, #tpu.memory_space<vmem>>, vector<1x32xbf16>,
        %get3A_986 = vector.shape_cast %get3A_985 : vector<1x32xbf16> to vector<32xbf16>
        %get3A_987 = arith.index_cast %scan3A_532 : i32 to index
        %get3A_988 = arith.constant 32 : index
        %get3A_989 = tpu.vector_load %arg8[%get3A_987, %get3A_988] {strides = array<i32>} : memref<200x64xbf16, #tpu.memory_space<vmem>>, vector<1x32xbf16>,
        %get3A_990 = vector.shape_cast %get3A_989 : vector<1x32xbf16> to vector<32xbf16>
        %add3A_991 = arith.addf %get3A_986, %get3A_990 : vector<32xbf16>
        %add3A_992 = arith.constant 2400 : i32
        %add3A_993 = arith.addi %add3A_992, %scan3A_532 : i32
        %swap3A_994 = arith.index_cast %add3A_993 : i32 to index
        %swap3A_995 = arith.constant 32 : index
        %swap3A_996 = tpu.vector_load %arg7[%swap3A_994, %swap3A_995] {strides = array<i32>} : memref<3200x64xbf16, #tpu.memory_space<vmem>>, vector<1x32xbf16>,
        %swap3A_997 = vector.shape_cast %swap3A_996 : vector<1x32xbf16> to vector<32xbf16>
        %swap3A_998 = vector.shape_cast %add3A_991 : vector<32xbf16> to vector<1x32xbf16>
        tpu.vector_store %arg7[%swap3A_994, %swap3A_995], %swap3A_998 {strides = array<i32>} : memref<3200x64xbf16, #tpu.memory_space<vmem>>, vector<1x32xbf16>,
        %add3A_999 = arith.constant 2600 : i32
        %add3A_1000 = arith.addi %add3A_999, %scan3A_532 : i32
        %get3A_1001 = arith.index_cast %add3A_1000 : i32 to index
        %get3A_1002 = arith.constant 0 : index
        %get3A_1003 = tpu.vector_load %arg7[%get3A_1001, %get3A_1002] {strides = array<i32>} : memref<3200x64xbf16, #tpu.memory_space<vmem>>, vector<1x32xbf16>,
        %get3A_1004 = vector.shape_cast %get3A_1003 : vector<1x32xbf16> to vector<32xbf16>
        %get3A_1005 = arith.index_cast %scan3A_532 : i32 to index
        %get3A_1006 = arith.constant 0 : index
        %get3A_1007 = tpu.vector_load %arg8[%get3A_1005, %get3A_1006] {strides = array<i32>} : memref<200x64xbf16, #tpu.memory_space<vmem>>, vector<1x32xbf16>,
        %get3A_1008 = vector.shape_cast %get3A_1007 : vector<1x32xbf16> to vector<32xbf16>
        %add3A_1009 = arith.addf %get3A_1004, %get3A_1008 : vector<32xbf16>
        %add3A_1010 = arith.constant 2600 : i32
        %add3A_1011 = arith.addi %add3A_1010, %scan3A_532 : i32
        %swap3A_1012 = arith.index_cast %add3A_1011 : i32 to index
        %swap3A_1013 = arith.constant 0 : index
        %swap3A_1014 = tpu.vector_load %arg7[%swap3A_1012, %swap3A_1013] {strides = array<i32>} : memref<3200x64xbf16, #tpu.memory_space<vmem>>, vector<1x32xbf16>,
        %swap3A_1015 = vector.shape_cast %swap3A_1014 : vector<1x32xbf16> to vector<32xbf16>
        %swap3A_1016 = vector.shape_cast %add3A_1009 : vector<32xbf16> to vector<1x32xbf16>
        tpu.vector_store %arg7[%swap3A_1012, %swap3A_1013], %swap3A_1016 {strides = array<i32>} : memref<3200x64xbf16, #tpu.memory_space<vmem>>, vector<1x32xbf16>,
        %add3A_1017 = arith.constant 2600 : i32
        %add3A_1018 = arith.addi %add3A_1017, %scan3A_532 : i32
        %get3A_1019 = arith.index_cast %add3A_1018 : i32 to index
        %get3A_1020 = arith.constant 32 : index
        %get3A_1021 = tpu.vector_load %arg7[%get3A_1019, %get3A_1020] {strides = array<i32>} : memref<3200x64xbf16, #tpu.memory_space<vmem>>, vector<1x32xbf16>,
        %get3A_1022 = vector.shape_cast %get3A_1021 : vector<1x32xbf16> to vector<32xbf16>
        %get3A_1023 = arith.index_cast %scan3A_532 : i32 to index
        %get3A_1024 = arith.constant 32 : index
        %get3A_1025 = tpu.vector_load %arg8[%get3A_1023, %get3A_1024] {strides = array<i32>} : memref<200x64xbf16, #tpu.memory_space<vmem>>, vector<1x32xbf16>,
        %get3A_1026 = vector.shape_cast %get3A_1025 : vector<1x32xbf16> to vector<32xbf16>
        %add3A_1027 = arith.addf %get3A_1022, %get3A_1026 : vector<32xbf16>
        %add3A_1028 = arith.constant 2600 : i32
        %add3A_1029 = arith.addi %add3A_1028, %scan3A_532 : i32
        %swap3A_1030 = arith.index_cast %add3A_1029 : i32 to index
        %swap3A_1031 = arith.constant 32 : index
        %swap3A_1032 = tpu.vector_load %arg7[%swap3A_1030, %swap3A_1031] {strides = array<i32>} : memref<3200x64xbf16, #tpu.memory_space<vmem>>, vector<1x32xbf16>,
        %swap3A_1033 = vector.shape_cast %swap3A_1032 : vector<1x32xbf16> to vector<32xbf16>
        %swap3A_1034 = vector.shape_cast %add3A_1027 : vector<32xbf16> to vector<1x32xbf16>
        tpu.vector_store %arg7[%swap3A_1030, %swap3A_1031], %swap3A_1034 {strides = array<i32>} : memref<3200x64xbf16, #tpu.memory_space<vmem>>, vector<1x32xbf16>,
        %add3A_1035 = arith.constant 2800 : i32
        %add3A_1036 = arith.addi %add3A_1035, %scan3A_532 : i32
        %get3A_1037 = arith.index_cast %add3A_1036 : i32 to index
        %get3A_1038 = arith.constant 0 : index
        %get3A_1039 = tpu.vector_load %arg7[%get3A_1037, %get3A_1038] {strides = array<i32>} : memref<3200x64xbf16, #tpu.memory_space<vmem>>, vector<1x32xbf16>,
        %get3A_1040 = vector.shape_cast %get3A_1039 : vector<1x32xbf16> to vector<32xbf16>
        %get3A_1041 = arith.index_cast %scan3A_532 : i32 to index
        %get3A_1042 = arith.constant 0 : index
        %get3A_1043 = tpu.vector_load %arg8[%get3A_1041, %get3A_1042] {strides = array<i32>} : memref<200x64xbf16, #tpu.memory_space<vmem>>, vector<1x32xbf16>,
        %get3A_1044 = vector.shape_cast %get3A_1043 : vector<1x32xbf16> to vector<32xbf16>
        %add3A_1045 = arith.addf %get3A_1040, %get3A_1044 : vector<32xbf16>
        %add3A_1046 = arith.constant 2800 : i32
        %add3A_1047 = arith.addi %add3A_1046, %scan3A_532 : i32
        %swap3A_1048 = arith.index_cast %add3A_1047 : i32 to index
        %swap3A_1049 = arith.constant 0 : index
        %swap3A_1050 = tpu.vector_load %arg7[%swap3A_1048, %swap3A_1049] {strides = array<i32>} : memref<3200x64xbf16, #tpu.memory_space<vmem>>, vector<1x32xbf16>,
        %swap3A_1051 = vector.shape_cast %swap3A_1050 : vector<1x32xbf16> to vector<32xbf16>
        %swap3A_1052 = vector.shape_cast %add3A_1045 : vector<32xbf16> to vector<1x32xbf16>
        tpu.vector_store %arg7[%swap3A_1048, %swap3A_1049], %swap3A_1052 {strides = array<i32>} : memref<3200x64xbf16, #tpu.memory_space<vmem>>, vector<1x32xbf16>,
        %add3A_1053 = arith.constant 2800 : i32
        %add3A_1054 = arith.addi %add3A_1053, %scan3A_532 : i32
        %get3A_1055 = arith.index_cast %add3A_1054 : i32 to index
        %get3A_1056 = arith.constant 32 : index
        %get3A_1057 = tpu.vector_load %arg7[%get3A_1055, %get3A_1056] {strides = array<i32>} : memref<3200x64xbf16, #tpu.memory_space<vmem>>, vector<1x32xbf16>,
        %get3A_1058 = vector.shape_cast %get3A_1057 : vector<1x32xbf16> to vector<32xbf16>
        %get3A_1059 = arith.index_cast %scan3A_532 : i32 to index
        %get3A_1060 = arith.constant 32 : index
        %get3A_1061 = tpu.vector_load %arg8[%get3A_1059, %get3A_1060] {strides = array<i32>} : memref<200x64xbf16, #tpu.memory_space<vmem>>, vector<1x32xbf16>,
        %get3A_1062 = vector.shape_cast %get3A_1061 : vector<1x32xbf16> to vector<32xbf16>
        %add3A_1063 = arith.addf %get3A_1058, %get3A_1062 : vector<32xbf16>
        %add3A_1064 = arith.constant 2800 : i32
        %add3A_1065 = arith.addi %add3A_1064, %scan3A_532 : i32
        %swap3A_1066 = arith.index_cast %add3A_1065 : i32 to index
        %swap3A_1067 = arith.constant 32 : index
        %swap3A_1068 = tpu.vector_load %arg7[%swap3A_1066, %swap3A_1067] {strides = array<i32>} : memref<3200x64xbf16, #tpu.memory_space<vmem>>, vector<1x32xbf16>,
        %swap3A_1069 = vector.shape_cast %swap3A_1068 : vector<1x32xbf16> to vector<32xbf16>
        %swap3A_1070 = vector.shape_cast %add3A_1063 : vector<32xbf16> to vector<1x32xbf16>
        tpu.vector_store %arg7[%swap3A_1066, %swap3A_1067], %swap3A_1070 {strides = array<i32>} : memref<3200x64xbf16, #tpu.memory_space<vmem>>, vector<1x32xbf16>,
        %add3A_1071 = arith.constant 3000 : i32
        %add3A_1072 = arith.addi %add3A_1071, %scan3A_532 : i32
        %get3A_1073 = arith.index_cast %add3A_1072 : i32 to index
        %get3A_1074 = arith.constant 0 : index
        %get3A_1075 = tpu.vector_load %arg7[%get3A_1073, %get3A_1074] {strides = array<i32>} : memref<3200x64xbf16, #tpu.memory_space<vmem>>, vector<1x32xbf16>,
        %get3A_1076 = vector.shape_cast %get3A_1075 : vector<1x32xbf16> to vector<32xbf16>
        %get3A_1077 = arith.index_cast %scan3A_532 : i32 to index
        %get3A_1078 = arith.constant 0 : index
        %get3A_1079 = tpu.vector_load %arg8[%get3A_1077, %get3A_1078] {strides = array<i32>} : memref<200x64xbf16, #tpu.memory_space<vmem>>, vector<1x32xbf16>,
        %get3A_1080 = vector.shape_cast %get3A_1079 : vector<1x32xbf16> to vector<32xbf16>
        %add3A_1081 = arith.addf %get3A_1076, %get3A_1080 : vector<32xbf16>
        %add3A_1082 = arith.constant 3000 : i32
        %add3A_1083 = arith.addi %add3A_1082, %scan3A_532 : i32
        %swap3A_1084 = arith.index_cast %add3A_1083 : i32 to index
        %swap3A_1085 = arith.constant 0 : index
        %swap3A_1086 = tpu.vector_load %arg7[%swap3A_1084, %swap3A_1085] {strides = array<i32>} : memref<3200x64xbf16, #tpu.memory_space<vmem>>, vector<1x32xbf16>,
        %swap3A_1087 = vector.shape_cast %swap3A_1086 : vector<1x32xbf16> to vector<32xbf16>
        %swap3A_1088 = vector.shape_cast %add3A_1081 : vector<32xbf16> to vector<1x32xbf16>
        tpu.vector_store %arg7[%swap3A_1084, %swap3A_1085], %swap3A_1088 {strides = array<i32>} : memref<3200x64xbf16, #tpu.memory_space<vmem>>, vector<1x32xbf16>,
        %add3A_1089 = arith.constant 3000 : i32
        %add3A_1090 = arith.addi %add3A_1089, %scan3A_532 : i32
        %get3A_1091 = arith.index_cast %add3A_1090 : i32 to index
        %get3A_1092 = arith.constant 32 : index
        %get3A_1093 = tpu.vector_load %arg7[%get3A_1091, %get3A_1092] {strides = array<i32>} : memref<3200x64xbf16, #tpu.memory_space<vmem>>, vector<1x32xbf16>,
        %get3A_1094 = vector.shape_cast %get3A_1093 : vector<1x32xbf16> to vector<32xbf16>
        %get3A_1095 = arith.index_cast %scan3A_532 : i32 to index
        %get3A_1096 = arith.constant 32 : index
        %get3A_1097 = tpu.vector_load %arg8[%get3A_1095, %get3A_1096] {strides = array<i32>} : memref<200x64xbf16, #tpu.memory_space<vmem>>, vector<1x32xbf16>,
        %get3A_1098 = vector.shape_cast %get3A_1097 : vector<1x32xbf16> to vector<32xbf16>
        %add3A_1099 = arith.addf %get3A_1094, %get3A_1098 : vector<32xbf16>
        %add3A_1100 = arith.constant 3000 : i32
        %add3A_1101 = arith.addi %add3A_1100, %scan3A_532 : i32
        %swap3A_1102 = arith.index_cast %add3A_1101 : i32 to index
        %swap3A_1103 = arith.constant 32 : index
        %swap3A_1104 = tpu.vector_load %arg7[%swap3A_1102, %swap3A_1103] {strides = array<i32>} : memref<3200x64xbf16, #tpu.memory_space<vmem>>, vector<1x32xbf16>,
        %swap3A_1105 = vector.shape_cast %swap3A_1104 : vector<1x32xbf16> to vector<32xbf16>
        %swap3A_1106 = vector.shape_cast %add3A_1099 : vector<32xbf16> to vector<1x32xbf16>
        tpu.vector_store %arg7[%swap3A_1102, %swap3A_1103], %swap3A_1106 {strides = array<i32>} : memref<3200x64xbf16, #tpu.memory_space<vmem>>, vector<1x32xbf16>,
      }
      %scan3A_531 = arith.constant 200 : i32
      "tpu.region"() ({
        %run_scoped3A = tpu.sem_alloc : memref<!tpu.dma_semaphore, #tpu.memory_space<semaphore_mem>>
        %dma_start3A_532 = arith.constant 0 : i32
        %dma_start3A_533 = tpu.memref_slice %arg5[%multiple_of3A, %dma_start3A_532] : memref<819200x64xbf16, #tpu.memory_space<hbm>> -> memref<3200x64xbf16, #tpu.memory_space<hbm>>
        %dma_start3A_534 = arith.constant 0 : i32
        %dma_start3A_535 = tpu.memref_slice %arg5[%multiple_of3A, %dma_start3A_534] : memref<819200x64xbf16, #tpu.memory_space<hbm>> -> memref<3200x64xbf16, #tpu.memory_space<hbm>>
        tpu.enqueue_dma source(%arg7 : memref<3200x64xbf16, #tpu.memory_space<vmem>>) target(%dma_start3A_535 : memref<3200x64xbf16, #tpu.memory_space<hbm>>) target_semaphore(%run_scoped3A : memref<!tpu.dma_semaphore, #tpu.memory_space<semaphore_mem>>)
        %dma_wait3A_536 = arith.constant 0 : i32
        %dma_wait3A_537 = tpu.memref_slice %arg5[%multiple_of3A, %dma_wait3A_536] : memref<819200x64xbf16, #tpu.memory_space<hbm>> -> memref<3200x64xbf16, #tpu.memory_space<hbm>>
        %dma_wait3A_538 = arith.constant 0 : i32
        %dma_wait3A_539 = tpu.memref_slice %arg5[%multiple_of3A, %dma_wait3A_538] : memref<819200x64xbf16, #tpu.memory_space<hbm>> -> memref<3200x64xbf16, #tpu.memory_space<hbm>>
        tpu.wait_dma2 semaphore(%run_scoped3A : memref<!tpu.dma_semaphore, #tpu.memory_space<semaphore_mem>>) src(%arg7 : memref<3200x64xbf16, #tpu.memory_space<vmem>>) dst(%dma_wait3A_539 : memref<3200x64xbf16, #tpu.memory_space<hbm>>)
        tpu.yield
      }) : () -> ()
    }
    %scan3A_5 = arith.constant 8 : i32
    return
  }
}

</mosaic_0001>

<sc_bundles>
// kernel: kernel.3.cloned.1.call-start
scs
__scs_entry_jumppad:
0x0: {  	(pc) =	sbr.rel $0x88, $3  }
0x1: {  	(tag) =	ssettag $0x0;
	lr =	simm.s32 $0x1  }
0x2: {  	[smem:$0x3F9E] =	sst lr;
	_ =	strace $0xD0000000  }
0x3: {  	_ = 	snop  }
0x4: {  	_ = 	snop  }
0x5: {  	_ = 	snop  }
0x6: {  	_ = 	snop  }
0x7: {  	_ = 	snop  }
__scs_overlays_trampoline_lowered:
0x8: {  	[smem:$0x3FAD] =	sst s0  }
0x9: {  	[smem:$0x3FAE] =	sst s1  }
0xa: {  	[smem:$0x3FAF] =	sst s2  }
0xb: {  	[smem:$0x3FB0] =	sst s3  }
0xc: {  	[smem:$0x3FB1] =	sst s4  }
0xd: {  	[smem:$0x3FB2] =	sst s5  }
0xe: {  	[smem:$0x3FB3] =	sst s6  }
0xf: {  	[smem:$0x3FB4] =	sst s7  }
0x10: {  	[smem:$0x3FB5] =	sst s8  }
0x11: {  	[smem:$0x3FB6] =	sst s9;
	s0 =	simm.s32 @!p0 $0x0  }
0x12: {  	s1 =	sld [smem:$0x3F9C];
	s0 =	simm.s32 @p0 $0x1  }
0x13: {  	[smem:$0x3FB7] =	sst s0;
	s0 =	simm.s32 @!p1 $0x0  }
0x14: {  	s2 =	sld [smem:$0x3F9B];
	s0 =	simm.s32 @p1 $0x1  }
0x15: {  	[smem:$0x3FB8] =	sst s0;
	s0 =	simm.s32 @!p2 $0x0  }
0x16: {  	s3 =	sld [smem:$0x3FDB];
	s0 =	simm.s32 @p2 $0x1  }
0x17: {  	s4 =	simm.s32 $0x1BF5;
	[smem:$0x3FBA] =	sst s0  }
0x18: {  	s0 =	sld [smem:$0x3F9D];
	_ =	swait.ge [sflag:s4], $0x0  }
0x19: {  	s7 =	sld [smem:$0x3F9E]  }
0x1a: {  	s8 =	sadd.s32 $0xFFFFE003, lr  }
0x1b: {  	s9 =	sadd.s32 $0xFFFFFEF7, lr;
	s5 =	simm.s32 $0xFFFFFFFF;
	p2 =	slt.u32 s8, $0xFFFFF086  }
0x1c: {  	p1 =	slt.u32 s9, $0xF7A;
	s5 =	simm.s32 @!p2 $0x0  }
0x1d: {  	s5 =	simm.s32 @p1 $0x1;
	p0 =	seq.s32 s7, s2  }
0x1e: {  	s7 =	smul.u32 @!p0 $0xF7A, s2;
	p2 =	seq.s32 @!p0 s5, $0x0  }
0x1f: {  	s9 =	smul.u32 $0xF7A, s1;
	s8 =	simm.s32 @!p0 $0x1BF5;
	p2 =	por !p2, p0  }
0x20: {  	[sflag:s8] =	ssyncset.s32 @!p0 $0xFFFFF086;
	s6 =	sadd.s32 @!p0 s3, s7;
	s7 =	simm.s32 @!p0 $0x108  }
0x21: {  	s3 =	sadd.s32 s3, s9;
	s6 =	sadd.s32 @!p0 $0x88, s6;
	s7 =	simm.s32 @p2 $0x1082  }
0x22: {  	[simem:s7], [sflag:s8] =	dma.local @!p0 [hbm:s6], $0xF7A  }
0x23: {  	s9 =	sor.u32 $0xD0000000, s2;
	s6 =	simm.s32 $0x108;
	_ =	swait.ge @!p0 [sflag:s8], $0x0  }
0x24: {  	s3 =	sadd.s32 $0x88, s3;
	s6 =	simm.s32 @!p1 $0x1082;
	[sflag:s4] =	ssyncset.s32 $0xFFFFF086  }
0x25: {  	[simem:s6], [sflag:s4] =	dma.local [hbm:s3], $0xF7A  }
0x26: {  	[smem:$0x3F9E] =	sst s1;
	(tag) =	ssettag s2;
	_ =	strace s9  }
0x27: {  	s1 =	sld [smem:$0x3FAE]  }
0x28: {  	s2 =	sld [smem:$0x3FAF]  }
0x29: {  	s4 =	sld [smem:$0x3FB1]  }
0x2a: {  	p0 =	seq.s32 s5, $0x0;
	s5 =	sld [smem:$0x3FB2]  }
0x2b: {  	s6 =	sld [smem:$0x3FB3]  }
0x2c: {  	s7 =	sld [smem:$0x3FB4]  }
0x2d: {  	s3 =	simm.s32 $0x108;
	s8 =	sld [smem:$0x3FB5]  }
0x2e: {  	s3 =	simm.s32 @!p0 $0x1082;
	s9 =	sld [smem:$0x3FB6]  }
0x2f: {  	lr =	sadd.s32 s0, s3;
	s0 =	sld [smem:$0x3FAD]  }
0x30: {  	s3 =	sld [smem:$0x3FB0]  }
0x31: {  	[smem:$0x3FB9] =	sst s10  }
0x32: {  	s10 =	sld [smem:$0x3FB7];
	_ =	sdelay $0x3  }
0x33: {  	p0 =	seq.s32 s10, $0x1;
	s10 =	sld [smem:$0x3FB9];
	_ =	sdelay $0x3  }
0x34: {  	[smem:$0x3FB9] =	sst s10  }
0x35: {  	s10 =	sld [smem:$0x3FB8];
	_ =	sdelay $0x3  }
0x36: {  	p1 =	seq.s32 s10, $0x1;
	s10 =	sld [smem:$0x3FB9];
	_ =	sdelay $0x3  }
0x37: {  	[smem:$0x3FB9] =	sst s10  }
0x38: {  	s10 =	sld [smem:$0x3FBA]  }
0x39: {  	_ = 	snop;
	(pc) =	sbr.ind lr, $3  }
0x3a: {  	_ = 	snop  }
0x3b: {  	_ = 	snop  }
0x3c: {  	p2 =	seq.s32 s10, $0x1;
	s10 =	sld [smem:$0x3FB9]  }
0x3d: {  	_ =	shalt  }
0x3e: {  	_ =	shalt  }
0x3f: {  	_ =	shalt  }
0x40: {  	_ =	shalt  }
0x41: {  	_ =	shalt  }
0x42: {  	_ =	shalt  }
0x43: {  	_ =	shalt  }
0x44: {  	_ =	shalt  }
0x45: {  	_ =	shalt  }
0x46: {  	_ =	shalt  }
0x47: {  	_ =	shalt  }
0x48: {  	_ =	shalt  }
0x49: {  	_ =	shalt  }
0x4a: {  	_ =	shalt  }
0x4b: {  	_ =	shalt  }
0x4c: {  	_ =	shalt  }
0x4d: {  	_ =	shalt  }
0x4e: {  	_ =	shalt  }
0x4f: {  	_ =	shalt  }
0x50: {  	_ =	shalt  }
0x51: {  	_ =	shalt  }
0x52: {  	_ =	shalt  }
0x53: {  	_ =	shalt  }
0x54: {  	_ =	shalt  }
0x55: {  	_ =	shalt  }
0x56: {  	_ =	shalt  }
0x57: {  	_ =	shalt  }
0x58: {  	_ =	shalt  }
0x59: {  	_ =	shalt  }
0x5a: {  	_ =	shalt  }
0x5b: {  	_ =	shalt  }
0x5c: {  	_ =	shalt  }
0x5d: {  	_ =	shalt  }
0x5e: {  	_ =	shalt  }
0x5f: {  	_ =	shalt  }
0x60: {  	_ =	shalt  }
0x61: {  	_ =	shalt  }
0x62: {  	_ =	shalt  }
0x63: {  	_ =	shalt  }
0x64: {  	_ =	shalt  }
0x65: {  	_ =	shalt  }
0x66: {  	_ =	shalt  }
0x67: {  	_ =	shalt  }
0x68: {  	_ =	shalt  }
0x69: {  	_ =	shalt  }
0x6a: {  	_ =	shalt  }
0x6b: {  	_ =	shalt  }
0x6c: {  	_ =	shalt  }
0x6d: {  	_ =	shalt  }
0x6e: {  	_ =	shalt  }
0x6f: {  	_ =	shalt  }
0x70: {  	_ =	shalt  }
0x71: {  	_ =	shalt  }
0x72: {  	_ =	shalt  }
0x73: {  	_ =	shalt  }
0x74: {  	_ =	shalt  }
0x75: {  	_ =	shalt  }
0x76: {  	_ =	shalt  }
0x77: {  	_ =	shalt  }
0x78: {  	_ =	shalt  }
0x79: {  	_ =	shalt  }
0x7a: {  	_ =	shalt  }
0x7b: {  	_ =	shalt  }
0x7c: {  	_ =	shalt  }
0x7d: {  	_ =	shalt  }
0x7e: {  	_ =	shalt  }
0x7f: {  	_ =	shalt  }
0x80: {  	_ =	shalt  }
0x81: {  	_ =	shalt  }
0x82: {  	_ =	shalt  }
0x83: {  	_ =	shalt  }
0x84: {  	_ =	shalt  }
0x85: {  	_ =	shalt  }
0x86: {  	_ =	shalt  }
0x87: {  	_ =	shalt  }
.Lfunc_end0:
.L_simem_size_0:
called_computation.2_lowered:
.L_overlay_start_0:
0x88: {  	s2 =	sld [smem:$0x3FD9]  }
0x89: {  	s3 =	sld [smem:$0x3FFE];
	_ =	sdelay $0x1  }
0x8a: {  	s1 =	srdreg.scid  }
0x8b: {  	s0 =	sand.u32 $0x1, s1  }
0x8c: {  	s17 =	sshll.u32 s0, $0xA;
	s2 =	sadd.s32 s3, s2  }
0x8d: {  	s2 =	sadd.s32 s2, s17  }
0x8e: {  	[smem:$0x3FC5] =	sst s2  }
0x8f: {  	_ = 	snop  }
0x90: {  	s2 =	sld [smem:$0x3FD0];
	(tm) =	ssettm $0x1  }
0x91: {  	s18 =	sld [smem:$0x3FFB];
	_ =	sdelay $0x3  }
0x92: {  	_ =	strace s18  }
0x93: {  	s3 =	sld [smem:$0x3FFC];
	_ =	sdelay $0x3  }
0x94: {  	_ =	strace s3  }
0x95: {  	s3 =	sld [smem:$0x3FFD];
	_ =	sdelay $0x3  }
0x96: {  	_ =	strace s3  }
0x97: {  	_ =	strace $0x8FFFFFFF  }
0x98: {  	s19 =	sld [smem:$0x3FDB];
	_ =	sdelay $0x1  }
0x99: {  	s4 =	simm.s32 $_scs_section_size  }
0x9a: {  	s5 =	simm.s32 $_size__tile_overlayer_lowered;
	s6 =	simm.s32 $_tile_overlayer_lowered  }
0x9b: {  	s22 =	simm.s32 $0x1BFF;
	s21 =	sshll.u32 s6, $0x1;
	s3 =	sadd.s32 s4, s19  }
0x9c: {  	s7 =	simm.s32 $0x0;
	s20 =	sshll.u32 s5, $0x1;
	s5 =	sadd.s32 s21, s3  }
0x9d: {  	[timem:s7], [sflag:s22] =	dma.local [hbm:s5], s20  }
0x9e: {  	_ =	swait.ge [sflag:s22], s20  }
0x9f: {  	s4 =	ssub.s32 $0x0, s20;
	[sflag:s22] =	ssyncset.done $0x0  }
0xa0: {  	[sflag:s22] =	ssyncadd.s32 s4;
	_ =	sdelay $0x1  }
0xa1: {  	s23 =	simm.s32 $0x1B8B  }
0xa2: {  	_ =	swait.ge [sflag:s23], $0x1  }
0xa3: {  	[sflag:s23] =	ssyncset.done $0x0  }
0xa4: {  	s25 =	simm.s32 $0x1B8E;
	s24 =	sld [smem:$0x3FFE];
	[sflag:s23] =	ssyncadd.s32 $0xFFFFFFFF  }
0xa5: {  	s26 =	simm.s32 $execute0_lowered;
	[smem:$0x3FD2] =	sst s25  }
0xa6: {  	s5 =	sshll.u32 s26, $0x1;
	_ =	strace $0x80000049;
	[dreg:$0x1] =	wrdreg $0xFFFFFFFF  }
0xa7: {  	s28 =	simm.s32 $_size_execute0_lowered;
	s3 =	sadd.s32 s3, s5;
	[dreg:$0x0] =	wrdreg $0x0  }
0xa8: {  	s5 =	sshll.u32 s28, $0x1;
	[dreg:$0x2] =	wrdreg s3  }
0xa9: {  	[dreg:$0x3] =	wrdreg s5  }
0xaa: {  	[dreg:$0x4] =	wrdreg $0xC0  }
0xab: {  	_ =	task [dreg:s7], $0x5FFFF  }
0xac: {  	[dreg:$0x1] =	wrdreg $0xFFFFFFFF  }
0xad: {  	[dreg:$0x0] =	wrdreg $0x60  }
0xae: {  	[dreg:$0x2] =	wrdreg s2  }
0xaf: {  	[dreg:$0x3] =	wrdreg s24  }
0xb0: {  	[dreg:$0x4] =	wrdreg $0x9  }
0xb1: {  	_ =	task.clear_ibuf [dreg:s7], $0x5FFFF;
	_ =	strace $0x90000049  }
0xb2: {  	s29 =	simm.s32 $0x9;
	_ =	strace $0x8000004B  }
0xb3: {  	_ =	swait.ge [sflag:s29], $0x1  }
0xb4: {  	[sflag:s29] =	ssyncadd.s32 $0xFFFFFFFF  }
0xb5: {  	_ =	strace $0x9000004B  }
0xb6: {  	_ =	sfence  }
0xb7: {  	s30 =	sld [smem:$0x0];
	_ =	sdelay $0x2  }
0xb8: {  	s31 =	sshll.u32 s1, $0xD;
	s1 =	sshrl.u32 s1, $0x2  }
0xb9: {  	s3 =	sand.u32 $0x4000, s31;
	s1 =	sadd.s32 s1, s30  }
0xba: {  	s0 =	sor.u32 s3, s0;
	s1 =	sshll.u32 s1, $0x11  }
0xbb: {  	s0 =	sor.u32 s1, s0  }
0xbc: {  	s0 =	sadd.s32 $0x8F2B, s0  }
0xbd: {  	[sflag:s0] =	ssyncadd.remote.s32 $0x1  }
0xbe: {  	_ =	sfence.sel $0xFFFF  }
0xbf: {  	[dreg:$0x0] =	wrdreg $0xFFFFFFFF;
	(pc) =	sbr.abs _section_cstart, $3  }
0xc0: {  	[dreg:$0x1] =	wrdreg $0xFFFFFFFF  }
0xc1: {  	_ =	task.clear_ibuf [dreg:s7], $0x2FFFF;
	_ =	strace $0x9FFFFFFF  }
0xc2: {  	(tm) =	ssettm $0x7FFFFFFF  }
0xc3: {  	_ =	shalt  }
tec
execute0_lowered:
.L_overlay_start_1:
0x0: {  	(tag) =	ssettag $0x1  }
0x1: {  	s0 =	rddreg [dreg:$0x1]  }
0x2: {  	s1 =	simm.s32 $0x0;
	s24 =	srdreg.scid;
	s3 =	stileid.u32  }
0x3: {  	s10 =	simm.s32 $0x2;
	s11 =	simm.s32 $0x80;
	s12 =	simm.s32 $0xC80  }
0x4: {  	s16 =	simm.s32 $0xFC80;
	s17 =	simm.s32 $0x800;
	s18 =	simm.s32 $0x10C80  }
0x5: {  	s19 =	simm.s32 $0x880;
	s20 =	simm.s32 $0x11C80;
	s21 =	simm.s32 $0x900  }
0x6: {  	s22 =	simm.s32 $0x12C80;
	s23 =	simm.s32 $0x980;
	s28 =	simm.s32 $0xA80  }
0x7: {  	s29 =	simm.s32 $0x15C80;
	s30 =	simm.s32 $0xB00;
	s31 =	simm.s32 $0x16C80  }
0x8: {  	s9 =	simm.s32 $0xC00;
	s8 =	simm.s32 $0x1;
	[smem:$0x7FF] =	sst s1  }
0x9: {  	s1 =	sand.u32 $0x1, s24;
	s4 =	sadd.s32 $0x3D1A00, s0;
	s3 =	sshll.u32 s3, $0x1  }
0xa: {  	s5 =	sadd.s32 $0x7A2400, s0;
	s6 =	sadd.s32 $0x1000, s0;
	s24 =	simm.s32 $0x13C80  }
0xb: {  	_ =	strace $0x8000004A;
	s2 =	ssub.s32 $0x2, s1;
	[dreg:$0x3] =	wrdreg s5  }
0xc: {  	s1 =	sor.u32 s1, s3;
	s5 =	simm.s32 $0x18C80;
	s25 =	sshrl.u32 s2, $0x1  }
0xd: {  	s3 =	simm.s32 $0x0;
	s7 =	smul.u32 $0x6400, s1;
	s26 =	ssub.s32 s2, s25  }
0xe: {  	s25 =	simm.s32 $0xA00;
	s2 =	simm.s32 $0x17C80;
	s0 =	smax.u32 s26, $0x1  }
0xf: {  	s26 =	simm.s32 $0x14C80;
	[dreg:$0x4] =	wrdreg s0;
	s0 =	simm.s32 $0xB80  }
.LBB2_1:
0x10: {  	[dreg:$0x5] =	wrdreg s3  }
0x11: {  	s1 =	simm.s32 $0x0;
	s15 =	rddreg [dreg:$0x3];
	s13 =	simm.s32 $0x19C80  }
0x12: {  	[tilespmem:s13], [sflag:$0x2] =	stream.linear.gather [hbm4b:s15+s1], $0x1900, $0x38;
	[tilespmem:$0x1B580] =	vst v63  }
0x13: {  	_ =	swait.ge [sflag:s10], $0x1900  }
0x14: {  	[sflag:s10] =	ssyncset.done $0x0  }
0x15: {  	s1 =	simm.s32 $0x0;
	[sflag:s10] =	ssyncadd.s32 $0xFFFFE700  }
.LBB2_2:
0x16: {  	s3 =	smul.u32 $0xC80, s1;
	_ =	sdelay $0x1  }
0x17: {  	s3 =	sadd.s32 s7, s3  }
0x18: {  	s14 =	rddreg [dreg:$0x0];
	s13 =	sshrl.u32 s3, $0x3  }
0x19: {  	s15 =	simm.s32 $0x0;
	s13 =	sadd.s32 s14, s13  }
0x1a: {  	[tilespmem:s15], [sflag:$0x2] =	stream.linear.gather [hbm4b:s13+s15], $0xC80, $0x38;
	[tilespmem:$0x1B580] =	vst v63  }
0x1b: {  	_ =	swait.ge [sflag:s10], $0xC80  }
0x1c: {  	[sflag:s10] =	ssyncset.done $0x0  }
0x1d: {  	[sflag:s10] =	ssyncadd.s32 $0xFFFFF380  }
0x1e: {  	[tilespmem:s12], [sflag:$0x1] =	stream.indirect.gather [hbm4b:s4+s11], $0x20, s15, s11, $0xb8;
	[tilespmem:$0x1B580] =	vst v63  }
0x1f: {  	s15 =	simm.s32 $0x1C80  }
0x20: {  	[tilespmem:s15], [sflag:$0x1] =	stream.indirect.gather [hbm4b:s4+s11], $0x20, s11, s11, $0xb8;
	[tilespmem:$0x1B580] =	vst v63  }
0x21: {  	s14 =	simm.s32 $0x100;
	s15 =	simm.s32 $0x2C80  }
0x22: {  	[tilespmem:s15], [sflag:$0x1] =	stream.indirect.gather [hbm4b:s4+s11], $0x20, s14, s11, $0xb8;
	[tilespmem:$0x1B580] =	vst v63  }
0x23: {  	s14 =	simm.s32 $0x180;
	s15 =	simm.s32 $0x3C80  }
0x24: {  	[tilespmem:s15], [sflag:$0x1] =	stream.indirect.gather [hbm4b:s4+s11], $0x20, s14, s11, $0xb8;
	[tilespmem:$0x1B580] =	vst v63  }
0x25: {  	s14 =	simm.s32 $0x200;
	s15 =	simm.s32 $0x4C80  }
0x26: {  	[tilespmem:s15], [sflag:$0x1] =	stream.indirect.gather [hbm4b:s4+s11], $0x20, s14, s11, $0xb8;
	[tilespmem:$0x1B580] =	vst v63  }
0x27: {  	s14 =	simm.s32 $0x280;
	s15 =	simm.s32 $0x5C80  }
0x28: {  	[tilespmem:s15], [sflag:$0x1] =	stream.indirect.gather [hbm4b:s4+s11], $0x20, s14, s11, $0xb8;
	[tilespmem:$0x1B580] =	vst v63  }
0x29: {  	s14 =	simm.s32 $0x300;
	s15 =	simm.s32 $0x6C80  }
0x2a: {  	[tilespmem:s15], [sflag:$0x1] =	stream.indirect.gather [hbm4b:s4+s11], $0x20, s14, s11, $0xb8;
	[tilespmem:$0x1B580] =	vst v63  }
0x2b: {  	s14 =	simm.s32 $0x380;
	s15 =	simm.s32 $0x7C80  }
0x2c: {  	[tilespmem:s15], [sflag:$0x1] =	stream.indirect.gather [hbm4b:s4+s11], $0x20, s14, s11, $0xb8;
	[tilespmem:$0x1B580] =	vst v63  }
0x2d: {  	s14 =	simm.s32 $0x400;
	s15 =	simm.s32 $0x8C80  }
0x2e: {  	[tilespmem:s15], [sflag:$0x1] =	stream.indirect.gather [hbm4b:s4+s11], $0x20, s14, s11, $0xb8;
	[tilespmem:$0x1B580] =	vst v63  }
0x2f: {  	s14 =	simm.s32 $0x480;
	s15 =	simm.s32 $0x9C80  }
0x30: {  	[tilespmem:s15], [sflag:$0x1] =	stream.indirect.gather [hbm4b:s4+s11], $0x20, s14, s11, $0xb8;
	[tilespmem:$0x1B580] =	vst v63  }
0x31: {  	s14 =	simm.s32 $0x500;
	s15 =	simm.s32 $0xAC80  }
0x32: {  	[tilespmem:s15], [sflag:$0x1] =	stream.indirect.gather [hbm4b:s4+s11], $0x20, s14, s11, $0xb8;
	[tilespmem:$0x1B580] =	vst v63  }
0x33: {  	s14 =	simm.s32 $0x580;
	s15 =	simm.s32 $0xBC80  }
0x34: {  	[tilespmem:s15], [sflag:$0x1] =	stream.indirect.gather [hbm4b:s4+s11], $0x20, s14, s11, $0xb8;
	[tilespmem:$0x1B580] =	vst v63  }
0x35: {  	s14 =	simm.s32 $0x600;
	s15 =	simm.s32 $0xCC80  }
0x36: {  	[tilespmem:s15], [sflag:$0x1] =	stream.indirect.gather [hbm4b:s4+s11], $0x20, s14, s11, $0xb8;
	[tilespmem:$0x1B580] =	vst v63  }
0x37: {  	s14 =	simm.s32 $0x680;
	s15 =	simm.s32 $0xDC80  }
0x38: {  	[tilespmem:s15], [sflag:$0x1] =	stream.indirect.gather [hbm4b:s4+s11], $0x20, s14, s11, $0xb8;
	[tilespmem:$0x1B580] =	vst v63  }
0x39: {  	s14 =	simm.s32 $0x700;
	s15 =	simm.s32 $0xEC80  }
0x3a: {  	[tilespmem:s15], [sflag:$0x1] =	stream.indirect.gather [hbm4b:s4+s11], $0x20, s14, s11, $0xb8;
	[tilespmem:$0x1B580] =	vst v63  }
0x3b: {  	s15 =	simm.s32 $0x780  }
0x3c: {  	[tilespmem:s16], [sflag:$0x1] =	stream.indirect.gather [hbm4b:s4+s11], $0x20, s15, s11, $0xb8;
	[tilespmem:$0x1B580] =	vst v63  }
0x3d: {  	_ = 	snop  }
0x3e: {  	[tilespmem:s18], [sflag:$0x1] =	stream.indirect.gather [hbm4b:s4+s11], $0x20, s17, s11, $0xb8;
	[tilespmem:$0x1B580] =	vst v63  }
0x3f: {  	_ = 	snop  }
0x40: {  	[tilespmem:s20], [sflag:$0x1] =	stream.indirect.gather [hbm4b:s4+s11], $0x20, s19, s11, $0xb8;
	[tilespmem:$0x1B580] =	vst v63  }
0x41: {  	_ = 	snop  }
0x42: {  	[tilespmem:s22], [sflag:$0x1] =	stream.indirect.gather [hbm4b:s4+s11], $0x20, s21, s11, $0xb8;
	[tilespmem:$0x1B580] =	vst v63  }
0x43: {  	_ = 	snop  }
0x44: {  	[tilespmem:s24], [sflag:$0x1] =	stream.indirect.gather [hbm4b:s4+s11], $0x20, s23, s11, $0xb8;
	[tilespmem:$0x1B580] =	vst v63  }
0x45: {  	_ = 	snop  }
0x46: {  	[tilespmem:s26], [sflag:$0x1] =	stream.indirect.gather [hbm4b:s4+s11], $0x20, s25, s11, $0xb8;
	[tilespmem:$0x1B580] =	vst v63  }
0x47: {  	_ = 	snop  }
0x48: {  	[tilespmem:s29], [sflag:$0x1] =	stream.indirect.gather [hbm4b:s4+s11], $0x20, s28, s11, $0xb8;
	[tilespmem:$0x1B580] =	vst v63  }
0x49: {  	_ = 	snop  }
0x4a: {  	[tilespmem:s31], [sflag:$0x1] =	stream.indirect.gather [hbm4b:s4+s11], $0x20, s30, s11, $0xb8;
	[tilespmem:$0x1B580] =	vst v63  }
0x4b: {  	_ = 	snop  }
0x4c: {  	[tilespmem:s2], [sflag:$0x1] =	stream.indirect.gather [hbm4b:s4+s11], $0x20, s0, s11, $0xb8;
	[tilespmem:$0x1B580] =	vst v63  }
0x4d: {  	_ = 	snop  }
0x4e: {  	[tilespmem:s5], [sflag:$0x1] =	stream.indirect.gather [hbm4b:s4+s11], $0x20, s9, s11, $0xb8;
	[tilespmem:$0x1B580] =	vst v63  }
0x4f: {  	_ =	swait.ge [sflag:s8], $0x1000  }
0x50: {  	[sflag:s8] =	ssyncset.done $0x0  }
0x51: {  	[sflag:s8] =	ssyncadd.s32 $0xFFFFF000  }
0x52: {  	_ =	swait.ge [sflag:s8], $0x1000  }
0x53: {  	[sflag:s8] =	ssyncset.done $0x0  }
0x54: {  	[sflag:s8] =	ssyncadd.s32 $0xFFFFF000  }
0x55: {  	_ =	swait.ge [sflag:s8], $0x1000  }
0x56: {  	[sflag:s8] =	ssyncset.done $0x0  }
0x57: {  	[sflag:s8] =	ssyncadd.s32 $0xFFFFF000  }
0x58: {  	_ =	swait.ge [sflag:s8], $0x1000  }
0x59: {  	[sflag:s8] =	ssyncset.done $0x0  }
0x5a: {  	[sflag:s8] =	ssyncadd.s32 $0xFFFFF000  }
0x5b: {  	_ =	swait.ge [sflag:s8], $0x1000  }
0x5c: {  	[sflag:s8] =	ssyncset.done $0x0  }
0x5d: {  	[sflag:s8] =	ssyncadd.s32 $0xFFFFF000  }
0x5e: {  	_ =	swait.ge [sflag:s8], $0x1000  }
0x5f: {  	[sflag:s8] =	ssyncset.done $0x0  }
0x60: {  	[sflag:s8] =	ssyncadd.s32 $0xFFFFF000  }
0x61: {  	_ =	swait.ge [sflag:s8], $0x1000  }
0x62: {  	[sflag:s8] =	ssyncset.done $0x0  }
0x63: {  	[sflag:s8] =	ssyncadd.s32 $0xFFFFF000  }
0x64: {  	_ =	swait.ge [sflag:s8], $0x1000  }
0x65: {  	[sflag:s8] =	ssyncset.done $0x0  }
0x66: {  	[sflag:s8] =	ssyncadd.s32 $0xFFFFF000  }
0x67: {  	_ =	swait.ge [sflag:s8], $0x1000  }
0x68: {  	[sflag:s8] =	ssyncset.done $0x0  }
0x69: {  	[sflag:s8] =	ssyncadd.s32 $0xFFFFF000  }
0x6a: {  	_ =	swait.ge [sflag:s8], $0x1000  }
0x6b: {  	[sflag:s8] =	ssyncset.done $0x0  }
0x6c: {  	[sflag:s8] =	ssyncadd.s32 $0xFFFFF000  }
0x6d: {  	_ =	swait.ge [sflag:s8], $0x1000  }
0x6e: {  	[sflag:s8] =	ssyncset.done $0x0  }
0x6f: {  	[sflag:s8] =	ssyncadd.s32 $0xFFFFF000  }
0x70: {  	_ =	swait.ge [sflag:s8], $0x1000  }
0x71: {  	[sflag:s8] =	ssyncset.done $0x0  }
0x72: {  	[sflag:s8] =	ssyncadd.s32 $0xFFFFF000  }
0x73: {  	_ =	swait.ge [sflag:s8], $0x1000  }
0x74: {  	[sflag:s8] =	ssyncset.done $0x0  }
0x75: {  	[sflag:s8] =	ssyncadd.s32 $0xFFFFF000  }
0x76: {  	_ =	swait.ge [sflag:s8], $0x1000  }
0x77: {  	[sflag:s8] =	ssyncset.done $0x0  }
0x78: {  	[sflag:s8] =	ssyncadd.s32 $0xFFFFF000  }
0x79: {  	_ =	swait.ge [sflag:s8], $0x1000  }
0x7a: {  	[sflag:s8] =	ssyncset.done $0x0  }
0x7b: {  	[sflag:s8] =	ssyncadd.s32 $0xFFFFF000  }
0x7c: {  	_ =	swait.ge [sflag:s8], $0x1000  }
0x7d: {  	[sflag:s8] =	ssyncset.done $0x0  }
0x7e: {  	[sflag:s8] =	ssyncadd.s32 $0xFFFFF000  }
0x7f: {  	_ =	swait.ge [sflag:s8], $0x1000  }
0x80: {  	[sflag:s8] =	ssyncset.done $0x0  }
0x81: {  	[sflag:s8] =	ssyncadd.s32 $0xFFFFF000  }
0x82: {  	_ =	swait.ge [sflag:s8], $0x1000  }
0x83: {  	[sflag:s8] =	ssyncset.done $0x0  }
0x84: {  	[sflag:s8] =	ssyncadd.s32 $0xFFFFF000  }
0x85: {  	_ =	swait.ge [sflag:s8], $0x1000  }
0x86: {  	[sflag:s8] =	ssyncset.done $0x0  }
0x87: {  	[sflag:s8] =	ssyncadd.s32 $0xFFFFF000  }
0x88: {  	_ =	swait.ge [sflag:s8], $0x1000  }
0x89: {  	[sflag:s8] =	ssyncset.done $0x0  }
0x8a: {  	[sflag:s8] =	ssyncadd.s32 $0xFFFFF000  }
0x8b: {  	_ =	swait.ge [sflag:s8], $0x1000  }
0x8c: {  	[sflag:s8] =	ssyncset.done $0x0  }
0x8d: {  	[sflag:s8] =	ssyncadd.s32 $0xFFFFF000  }
0x8e: {  	_ =	swait.ge [sflag:s8], $0x1000  }
0x8f: {  	[sflag:s8] =	ssyncset.done $0x0  }
0x90: {  	[sflag:s8] =	ssyncadd.s32 $0xFFFFF000  }
0x91: {  	_ =	swait.ge [sflag:s8], $0x1000  }
0x92: {  	[sflag:s8] =	ssyncset.done $0x0  }
0x93: {  	[sflag:s8] =	ssyncadd.s32 $0xFFFFF000  }
0x94: {  	_ =	swait.ge [sflag:s8], $0x1000  }
0x95: {  	[sflag:s8] =	ssyncset.done $0x0  }
0x96: {  	[sflag:s8] =	ssyncadd.s32 $0xFFFFF000  }
0x97: {  	_ =	swait.ge [sflag:s8], $0x1000  }
0x98: {  	[sflag:s8] =	ssyncset.done $0x0  }
0x99: {  	s13 =	simm.s32 $0x0;
	[sflag:s8] =	ssyncadd.s32 $0xFFFFF000  }
0x9a: {  	v6 =	vld [tilespmem:s13+$0x19C80]  }
0x9b: {  	v7 =	vld [tilespmem:s13+$0x19C90]  }
0x9c: {  	v8 =	vld [tilespmem:s13+$0x19C80]  }
0x9d: {  	v9 =	vld [tilespmem:s13+$0x19C90]  }
0x9e: {  	v10 =	vld [tilespmem:s13+$0x19C80]  }
0x9f: {  	v11 =	vld [tilespmem:s13+$0x19C90]  }
0xa0: {  	v12 =	vld [tilespmem:s13+$0x19C80]  }
0xa1: {  	v13 =	vld [tilespmem:s13+$0x19C90]  }
0xa2: {  	v14 =	vld [tilespmem:s13+$0x19C80]  }
0xa3: {  	v15 =	vld [tilespmem:s13+$0x19C90]  }
0xa4: {  	v16 =	vld [tilespmem:s13+$0x19C80]  }
0xa5: {  	v17 =	vld [tilespmem:s13+$0x19C90]  }
0xa6: {  	v18 =	vld [tilespmem:s13+$0x19C80]  }
0xa7: {  	v19 =	vld [tilespmem:s13+$0x19C90]  }
0xa8: {  	v20 =	vld [tilespmem:s13+$0x19C80]  }
0xa9: {  	v21 =	vld [tilespmem:s13+$0x19C90]  }
0xaa: {  	v22 =	vld [tilespmem:s13+$0x19C80]  }
0xab: {  	v23 =	vld [tilespmem:s13+$0x19C90]  }
0xac: {  	v24 =	vld [tilespmem:s13+$0x19C80]  }
0xad: {  	v25 =	vld [tilespmem:s13+$0x19C90]  }
0xae: {  	v5 =	vld [tilespmem:s13+$0x19C80]  }
0xaf: {  	v4 =	vld [tilespmem:s13+$0x19C90]  }
0xb0: {  	v3 =	vld [tilespmem:s13+$0x19C80]  }
0xb1: {  	v2 =	vld [tilespmem:s13+$0x19C90]  }
0xb2: {  	v1 =	vld [tilespmem:s13+$0x19C80]  }
0xb3: {  	v0 =	vld [tilespmem:s13+$0x19C90]  }
0xb4: {  	v26 =	vld [tilespmem:s13+$0xC80]  }
0xb5: {  	v27 =	vld [tilespmem:s13+$0xC90]  }
0xb6: {  	v28 =	vld [tilespmem:s13+$0x2580]  }
0xb7: {  	v29 =	vld [tilespmem:s13+$0x2590]  }
0xb8: {  	v30 =	vld [tilespmem:s13+$0x3E80]  }
0xb9: {  	v31 =	vld [tilespmem:s13+$0x3E90];
	v26 =	vadd.bf16 v6, v26  }
0xba: {  	v32 =	vld [tilespmem:s13+$0x5780];
	v27 =	vadd.bf16 v7, v27  }
0xbb: {  	v58 =	vld [tilespmem:s13+$0x5790];
	v28 =	vadd.bf16 v6, v28;
	[tilespmem:s13+$0xC80] =	vst v26  }
0xbc: {  	v59 =	vld [tilespmem:s13+$0x7080];
	v29 =	vadd.bf16 v7, v29;
	[tilespmem:s13+$0xC90] =	vst v27  }
0xbd: {  	v60 =	vld [tilespmem:s13+$0x7090];
	v30 =	vadd.bf16 v6, v30;
	[tilespmem:s13+$0x2580] =	vst v28  }
0xbe: {  	v61 =	vld [tilespmem:s13+$0x8980];
	v31 =	vadd.bf16 v7, v31;
	[tilespmem:s13+$0x2590] =	vst v29  }
0xbf: {  	v62 =	vld [tilespmem:s13+$0x8990];
	v6 =	vadd.bf16 v6, v32;
	[tilespmem:s13+$0x3E80] =	vst v30  }
0xc0: {  	v63 =	vld [tilespmem:s13+$0xA280];
	v7 =	vadd.bf16 v7, v58;
	[tilespmem:s13+$0x3E90] =	vst v31  }
0xc1: {  	v8 =	vadd.bf16 v8, v59;
	[tilespmem:s13+$0x5780] =	vst v6;
	v6 =	vld [tilespmem:s13+$0xA290]  }
0xc2: {  	v9 =	vadd.bf16 v9, v60;
	[tilespmem:s13+$0x5790] =	vst v7;
	v7 =	vld [tilespmem:s13+$0xBB80]  }
0xc3: {  	v10 =	vadd.bf16 v10, v61;
	[tilespmem:s13+$0x7080] =	vst v8;
	v8 =	vld [tilespmem:s13+$0xBB90]  }
0xc4: {  	v11 =	vadd.bf16 v11, v62;
	[tilespmem:s13+$0x7090] =	vst v9;
	v9 =	vld [tilespmem:s13+$0xD480]  }
0xc5: {  	v12 =	vadd.bf16 v12, v63;
	[tilespmem:s13+$0x8980] =	vst v10;
	v10 =	vld [tilespmem:s13+$0xD490]  }
0xc6: {  	[tilespmem:s13+$0x8990] =	vst v11;
	v11 =	vld [tilespmem:s13+$0xED80];
	v6 =	vadd.bf16 v13, v6  }
0xc7: {  	[tilespmem:s13+$0xA280] =	vst v12;
	v12 =	vld [tilespmem:s13+$0xED90];
	v7 =	vadd.bf16 v14, v7  }
0xc8: {  	v8 =	vadd.bf16 v15, v8;
	[tilespmem:s13+$0xA290] =	vst v6;
	v6 =	vld [tilespmem:s13+$0x10680]  }
0xc9: {  	v13 =	vld [tilespmem:s13+$0x10690];
	[tilespmem:s13+$0xBB80] =	vst v7;
	v7 =	vadd.bf16 v16, v9  }
0xca: {  	[tilespmem:s13+$0xBB90] =	vst v8;
	v8 =	vld [tilespmem:s13+$0x11F80];
	v9 =	vadd.bf16 v17, v10  }
0xcb: {  	v10 =	vld [tilespmem:s13+$0x11F90];
	[tilespmem:s13+$0xD480] =	vst v7;
	v7 =	vadd.bf16 v18, v11  }
0xcc: {  	[tilespmem:s13+$0xD490] =	vst v9;
	v11 =	vld [tilespmem:s13+$0x13880];
	v9 =	vadd.bf16 v19, v12  }
0xcd: {  	v14 =	vld [tilespmem:s13+$0x13890];
	[tilespmem:s13+$0xED80] =	vst v7;
	v6 =	vadd.bf16 v20, v6  }
0xce: {  	[tilespmem:s13+$0xED90] =	vst v9;
	v7 =	vld [tilespmem:s13+$0x15180];
	v9 =	vadd.bf16 v21, v13  }
0xcf: {  	v12 =	vadd.bf16 v22, v8;
	[tilespmem:s13+$0x10680] =	vst v6;
	v6 =	vld [tilespmem:s13+$0x15190]  }
0xd0: {  	v8 =	vld [tilespmem:s13+$0x16A80];
	v10 =	vadd.bf16 v23, v10;
	[tilespmem:s13+$0x10690] =	vst v9  }
0xd1: {  	v9 =	vld [tilespmem:s13+$0x16A90];
	[tilespmem:s13+$0x11F80] =	vst v12;
	v12 =	vadd.bf16 v24, v11  }
0xd2: {  	s14 =	simm.s32 $0x80;
	[tilespmem:s13+$0x11F90] =	vst v10;
	v11 =	vadd.bf16 v25, v14;
	v10 =	vld [tilespmem:s13+$0x18380]  }
.LBB2_3:
0xd3: {  	s15 =	sshra.s32 s14, $0x2;
	p0 =	sne.s32 s14, $0x6380;
	[tilespmem:s13+$0x13880] =	vst v12;
	v5 =	vadd.bf16 v5, v7;
	v7 =	vld [tilespmem:s13+$0x18390]  }
0xd4: {  	v12 =	vld [tilespmem:s15+$0x19C80];
	[tilespmem:s13+$0x13890] =	vst v11;
	v4 =	vadd.bf16 v4, v6  }
0xd5: {  	v6 =	vld [tilespmem:s15+$0x19C90];
	[tilespmem:s13+$0x15180] =	vst v5;
	v3 =	vadd.bf16 v3, v8  }
0xd6: {  	v8 =	vld [tilespmem:s15+$0x19C80];
	[tilespmem:s13+$0x15190] =	vst v4;
	v2 =	vadd.bf16 v2, v9  }
0xd7: {  	v9 =	vld [tilespmem:s15+$0x19C90];
	[tilespmem:s13+$0x16A80] =	vst v3;
	v1 =	vadd.bf16 v1, v10  }
0xd8: {  	v10 =	vld [tilespmem:s15+$0x19C80];
	[tilespmem:s13+$0x16A90] =	vst v2;
	v0 =	vadd.bf16 v0, v7  }
0xd9: {  	v7 =	vld [tilespmem:s15+$0x19C90];
	[tilespmem:s13+$0x18380] =	vst v1  }
0xda: {  	v11 =	vld [tilespmem:s15+$0x19C80];
	[tilespmem:s13+$0x18390] =	vst v0;
	s13 =	smov.u32 s15  }
0xdb: {  	v13 =	vld [tilespmem:s13+$0x19C90]  }
0xdc: {  	v14 =	vld [tilespmem:s13+$0x19C80]  }
0xdd: {  	v15 =	vld [tilespmem:s13+$0x19C90]  }
0xde: {  	v16 =	vld [tilespmem:s13+$0x19C80]  }
0xdf: {  	v17 =	vld [tilespmem:s13+$0x19C90]  }
0xe0: {  	v18 =	vld [tilespmem:s13+$0x19C80]  }
0xe1: {  	v19 =	vld [tilespmem:s13+$0x19C90]  }
0xe2: {  	v20 =	vld [tilespmem:s13+$0x19C80]  }
0xe3: {  	v21 =	vld [tilespmem:s13+$0x19C90]  }
0xe4: {  	v22 =	vld [tilespmem:s13+$0x19C80]  }
0xe5: {  	v23 =	vld [tilespmem:s13+$0x19C90]  }
0xe6: {  	v24 =	vld [tilespmem:s13+$0x19C80]  }
0xe7: {  	v25 =	vld [tilespmem:s13+$0x19C90]  }
0xe8: {  	v5 =	vld [tilespmem:s13+$0x19C80]  }
0xe9: {  	v4 =	vld [tilespmem:s13+$0x19C90]  }
0xea: {  	v3 =	vld [tilespmem:s13+$0x19C80]  }
0xeb: {  	v2 =	vld [tilespmem:s13+$0x19C90]  }
0xec: {  	v1 =	vld [tilespmem:s13+$0x19C80]  }
0xed: {  	v0 =	vld [tilespmem:s13+$0x19C90]  }
0xee: {  	v26 =	vld [tilespmem:s13+$0xC80]  }
0xef: {  	v27 =	vld [tilespmem:s13+$0xC90]  }
0xf0: {  	v28 =	vld [tilespmem:s13+$0x2580]  }
0xf1: {  	v29 =	vld [tilespmem:s13+$0x2590]  }
0xf2: {  	v30 =	vld [tilespmem:s13+$0x3E80]  }
0xf3: {  	v26 =	vadd.bf16 v12, v26;
	v31 =	vld [tilespmem:s13+$0x3E90]  }
0xf4: {  	v27 =	vadd.bf16 v6, v27;
	v32 =	vld [tilespmem:s13+$0x5780]  }
0xf5: {  	[tilespmem:s13+$0xC80] =	vst v26;
	v26 =	vadd.bf16 v12, v28;
	v28 =	vld [tilespmem:s13+$0x5790]  }
0xf6: {  	[tilespmem:s13+$0xC90] =	vst v27;
	v27 =	vadd.bf16 v6, v29;
	v29 =	vld [tilespmem:s13+$0x7080]  }
0xf7: {  	[tilespmem:s13+$0x2580] =	vst v26;
	v26 =	vadd.bf16 v12, v30;
	v30 =	vld [tilespmem:s13+$0x7090]  }
0xf8: {  	[tilespmem:s13+$0x2590] =	vst v27;
	v27 =	vadd.bf16 v6, v31;
	v31 =	vld [tilespmem:s13+$0x8980]  }
0xf9: {  	[tilespmem:s13+$0x3E80] =	vst v26;
	v12 =	vadd.bf16 v12, v32;
	v26 =	vld [tilespmem:s13+$0x8990]  }
0xfa: {  	[tilespmem:s13+$0x3E90] =	vst v27;
	v6 =	vadd.bf16 v6, v28;
	v27 =	vld [tilespmem:s13+$0xA280]  }
0xfb: {  	[tilespmem:s13+$0x5780] =	vst v12;
	v8 =	vadd.bf16 v8, v29;
	v12 =	vld [tilespmem:s13+$0xA290]  }
0xfc: {  	[tilespmem:s13+$0x5790] =	vst v6;
	v6 =	vadd.bf16 v9, v30;
	v9 =	vld [tilespmem:s13+$0xBB80]  }
0xfd: {  	[tilespmem:s13+$0x7080] =	vst v8;
	v8 =	vadd.bf16 v10, v31;
	v10 =	vld [tilespmem:s13+$0xBB90]  }
0xfe: {  	[tilespmem:s13+$0x7090] =	vst v6;
	v6 =	vadd.bf16 v7, v26;
	v7 =	vld [tilespmem:s13+$0xD480]  }
0xff: {  	[tilespmem:s13+$0x8980] =	vst v8;
	v8 =	vadd.bf16 v11, v27;
	v11 =	vld [tilespmem:s13+$0xD490]  }
0x100: {  	[tilespmem:s13+$0x8990] =	vst v6;
	v6 =	vadd.bf16 v13, v12;
	v12 =	vld [tilespmem:s13+$0xED80]  }
0x101: {  	[tilespmem:s13+$0xA280] =	vst v8;
	v8 =	vadd.bf16 v14, v9;
	v9 =	vld [tilespmem:s13+$0xED90]  }
0x102: {  	[tilespmem:s13+$0xA290] =	vst v6;
	v6 =	vadd.bf16 v15, v10;
	v10 =	vld [tilespmem:s13+$0x10680]  }
0x103: {  	[tilespmem:s13+$0xBB80] =	vst v8;
	v7 =	vadd.bf16 v16, v7;
	v8 =	vld [tilespmem:s13+$0x10690]  }
0x104: {  	[tilespmem:s13+$0xBB90] =	vst v6;
	v6 =	vadd.bf16 v17, v11;
	v11 =	vld [tilespmem:s13+$0x11F80]  }
0x105: {  	[tilespmem:s13+$0xD480] =	vst v7;
	v7 =	vadd.bf16 v18, v12;
	v12 =	vld [tilespmem:s13+$0x11F90]  }
0x106: {  	[tilespmem:s13+$0xD490] =	vst v6;
	v6 =	vadd.bf16 v19, v9;
	v9 =	vld [tilespmem:s13+$0x13880]  }
0x107: {  	[tilespmem:s13+$0xED80] =	vst v7;
	v10 =	vadd.bf16 v20, v10;
	v13 =	vld [tilespmem:s13+$0x13890]  }
.Ltmp0:
0x108: {  	[tilespmem:s13+$0xED90] =	vst v6;
	v8 =	vadd.bf16 v21, v8;
	v7 =	vld [tilespmem:s13+$0x15180];
	(pc) =	sbr.rel @p0 .LBB2_3-.Ltmp0, $4  }
0x109: {  	[tilespmem:s13+$0x10680] =	vst v10;
	v10 =	vadd.bf16 v22, v11;
	v6 =	vld [tilespmem:s13+$0x15190]  }
0x10a: {  	[tilespmem:s13+$0x10690] =	vst v8;
	v11 =	vadd.bf16 v23, v12;
	v8 =	vld [tilespmem:s13+$0x16A80]  }
0x10b: {  	[tilespmem:s13+$0x11F80] =	vst v10;
	v12 =	vadd.bf16 v24, v9;
	v9 =	vld [tilespmem:s13+$0x16A90]  }
0x10c: {  	s14 =	sadd.s32 $0x80, s14;
	[tilespmem:s13+$0x11F90] =	vst v11;
	v11 =	vadd.bf16 v25, v13;
	v10 =	vld [tilespmem:s13+$0x18380]  }
0x10d: {  	[tilespmem:s13+$0x13880] =	vst v12;
	v5 =	vadd.bf16 v5, v7;
	v63 =	vld [tilespmem:s13+$0x18390]  }
0x10e: {  	[tilespmem:s13+$0x13890] =	vst v11;
	v4 =	vadd.bf16 v4, v6  }
0x10f: {  	[tilespmem:s13+$0x15180] =	vst v5;
	v3 =	vadd.bf16 v3, v8  }
0x110: {  	[tilespmem:s13+$0x15190] =	vst v4;
	v2 =	vadd.bf16 v2, v9  }
0x111: {  	[tilespmem:s13+$0x16A80] =	vst v3;
	v1 =	vadd.bf16 v1, v10  }
0x112: {  	s3 =	sshll.u32 s3, $0x2;
	s1 =	sadd.s32 $0x1, s1;
	[tilespmem:s13+$0x16A90] =	vst v2;
	v0 =	vadd.bf16 v0, v63  }
0x113: {  	s3 =	sand.u32 $0xFFFFE00, s3;
	p0 =	sne.s32 s1, $0x8;
	[tilespmem:s13+$0x18380] =	vst v1  }
.Ltmp1:
0x114: {  	s15 =	simm.s32 $0x0;
	s3 =	sadd.s32 s6, s3;
	[tilespmem:s13+$0x18390] =	vst v0;
	(pc) =	sbr.rel @p0 .LBB2_2-.Ltmp1, $4  }
0x115: {  	[hbm4b:s3+s15] =	stream.linear.scatter [tilespmem:s12], [sflag:$0x2], $0x19000, $0x38;
	[tilespmem:$0x1B580] =	vst v63  }
0x116: {  	_ =	swait.ge [sflag:s10], $0x19000  }
0x117: {  	[sflag:s10] =	ssyncset.done $0x0  }
0x118: {  	[sflag:s10] =	ssyncadd.s32 $0xFFFE7000  }
0x119: {  	s3 =	rddreg [dreg:$0x5]  }
0x11a: {  	s1 =	rddreg [dreg:$0x4];
	s3 =	sadd.s32 $0x1, s3  }
0x11b: {  	p0 =	sne.s32 s3, s1  }
.Ltmp2:
0x11c: {  	_ = 	snop;
	(pc) =	sbr.rel @p0 .LBB2_1-.Ltmp2, $1  }
0x11d: {  	_ =	sdelay $0x3  }
0x11e: {  	_ =	sfence.sel $0x180000  }
0x11f: {  	[bflag:$0x0] =	sbarrier.arrive $0xFFFF  }
0x120: {  	_ =	strace $0x9000004A  }
0x121: {  	s0 =	stileid.u32;
	[bflag:$0x2] =	sbarrier.arrive $0xFFFF  }
0x122: {  	p0 =	sne.s32 s0, $0x0;
	s0 =	rddreg [dreg:$0x2]  }
0x123: {  	s0 =	sadd.s32 @!p0 $0x100000, s0  }
0x124: {  	[sflag:s0] =	ssyncadd.tile.s32 @!p0 $0x1;
	_ =	shalt  }
.Lfunc_end2:
_tile_overlayer_lowered:
.L_overlay_start_2:
0x125: {  	(tag) =	ssettag $0x2  }
0x126: {  	s0 =	rddreg [dreg:$0x0];
	s2 =	stileid.u32  }
0x127: {  	s1 =	rddreg [dreg:$0x1];
	p0 =	sne.s32 s2, $0x0  }
0x128: {  	s3 =	rddreg [dreg:$0x2];
	[bflag:$0x3] =	sbarrier.arrive $0xFFFF;
	s2 =	simm.s32 @!p0 $0x1C02  }
0x129: {  	[timem:s3], [sflag:s2] =	dma.local @!p0 [hbm:s0], s1  }
0x12a: {  	s0 =	simm.s32 @!p0 $0x2  }
0x12b: {  	_ =	swait.ge @!p0 [sflag:s0], s1  }
0x12c: {  	s1 =	ssub.s32 @!p0 $0x0, s1;
	[sflag:s0] =	ssyncset.done @!p0 $0x0  }
0x12d: {  	[sflag:s0] =	ssyncadd.s32 @!p0 s1  }
0x12e: {  	[bflag:$0x3] =	sbarrier.arrive $0xFFFF  }
0x12f: {  	_ =	shalt  }

// kernel: sparse-core-data-format-call.1.cloned.1.call-start
scs
called_computation.1_lowered:
.L_overlay_start_0:
0x0: {  	s1 =	sld [smem:$0x3FD9]  }
0x1: {  	s2 =	sld [smem:$0x3FFE];
	_ =	sdelay $0x1  }
0x2: {  	s3 =	srdreg.scid  }
0x3: {  	s0 =	sand.u32 $0x1, s3  }
0x4: {  	s17 =	sshll.u32 s0, $0xA;
	s1 =	sadd.s32 s2, s1  }
0x5: {  	s1 =	sadd.s32 s1, s17  }
0x6: {  	[smem:$0x3FC5] =	sst s1  }
0x7: {  	_ = 	snop  }
0x8: {  	(tm) =	ssettm $0x1  }
0x9: {  	s18 =	sld [smem:$0x3FFB];
	_ =	sdelay $0x3  }
0xa: {  	_ =	strace s18  }
0xb: {  	s1 =	sld [smem:$0x3FFC];
	_ =	sdelay $0x3  }
0xc: {  	_ =	strace s1  }
0xd: {  	s1 =	sld [smem:$0x3FFD];
	_ =	sdelay $0x3  }
0xe: {  	_ =	strace s1  }
0xf: {  	_ =	strace $0x8FFFFFFF  }
0x10: {  	s19 =	sld [smem:$0x3FDB];
	_ =	sdelay $0x1  }
0x11: {  	s20 =	simm.s32 $_scs_section_size  }
0x12: {  	s4 =	simm.s32 $_size__tile_overlayer_lowered;
	s5 =	simm.s32 $_tile_overlayer_lowered  }
0x13: {  	s23 =	simm.s32 $0x1BFF;
	s22 =	sshll.u32 s5, $0x1;
	s1 =	sadd.s32 s20, s19  }
0x14: {  	s6 =	simm.s32 $0x0;
	s21 =	sshll.u32 s4, $0x1;
	s4 =	sadd.s32 s22, s1  }
0x15: {  	[timem:s6], [sflag:s23] =	dma.local [hbm:s4], s21  }
0x16: {  	_ =	swait.ge [sflag:s23], s21  }
0x17: {  	s2 =	ssub.s32 $0x0, s21;
	[sflag:s23] =	ssyncset.done $0x0  }
0x18: {  	[sflag:s23] =	ssyncadd.s32 s2;
	_ =	sdelay $0x1  }
0x19: {  	s24 =	simm.s32 $0x1B8B  }
0x1a: {  	_ =	swait.ge [sflag:s24], $0x1  }
0x1b: {  	[sflag:s24] =	ssyncset.done $0x0  }
0x1c: {  	s26 =	simm.s32 $0x1B8E;
	s25 =	sld [smem:$0x3FFE];
	[sflag:s24] =	ssyncadd.s32 $0xFFFFFFFF  }
0x1d: {  	s27 =	simm.s32 $execute0_lowered;
	[smem:$0x3FD2] =	sst s26  }
0x1e: {  	s4 =	sshll.u32 s27, $0x1;
	_ =	strace $0x80000046;
	[dreg:$0x1] =	wrdreg $0xFFFFFFFF  }
0x1f: {  	s28 =	simm.s32 $_size_execute0_lowered;
	s1 =	sadd.s32 s1, s4;
	[dreg:$0x0] =	wrdreg $0x0  }
0x20: {  	s4 =	sshll.u32 s28, $0x1;
	[dreg:$0x2] =	wrdreg s1  }
0x21: {  	[dreg:$0x3] =	wrdreg s4  }
0x22: {  	[dreg:$0x4] =	wrdreg $0xC0  }
0x23: {  	_ =	task [dreg:s6], $0x5FFFF  }
0x24: {  	[dreg:$0x1] =	wrdreg $0xFFFFFFFF  }
0x25: {  	[dreg:$0x0] =	wrdreg $0x60  }
0x26: {  	[dreg:$0x2] =	wrdreg s25  }
0x27: {  	[dreg:$0x3] =	wrdreg $0x9  }
0x28: {  	_ =	task.clear_ibuf [dreg:s6], $0x4FFFF;
	_ =	strace $0x90000046  }
0x29: {  	s29 =	simm.s32 $0x9;
	_ =	strace $0x80000048  }
0x2a: {  	_ =	swait.ge [sflag:s29], $0x1  }
0x2b: {  	[sflag:s29] =	ssyncadd.s32 $0xFFFFFFFF  }
0x2c: {  	_ =	strace $0x90000048  }
0x2d: {  	_ =	sfence  }
0x2e: {  	s30 =	sld [smem:$0x0];
	_ =	sdelay $0x2  }
0x2f: {  	s31 =	sshll.u32 s3, $0xD;
	s3 =	sshrl.u32 s3, $0x2  }
0x30: {  	s2 =	sand.u32 $0x4000, s31;
	s1 =	sadd.s32 s3, s30  }
0x31: {  	s0 =	sor.u32 s2, s0;
	s1 =	sshll.u32 s1, $0x11  }
0x32: {  	s0 =	sor.u32 s1, s0  }
0x33: {  	s0 =	sadd.s32 $0x8F2B, s0  }
0x34: {  	[sflag:s0] =	ssyncadd.remote.s32 $0x1  }
0x35: {  	_ =	sfence.sel $0xFFFF  }
0x36: {  	[dreg:$0x0] =	wrdreg $0xFFFFFFFF;
	(pc) =	sbr.abs _section_cstart, $3  }
0x37: {  	[dreg:$0x1] =	wrdreg $0xFFFFFFFF  }
0x38: {  	_ =	task.clear_ibuf [dreg:s6], $0x2FFFF;
	_ =	strace $0x9FFFFFFF  }
0x39: {  	(tm) =	ssettm $0x7FFFFFFF  }
tec
execute0_lowered:
.L_overlay_start_1:
0x0: {  	(tag) =	ssettag $0x1  }
0x1: {  	s0 =	srdreg.scid  }
0x2: {  	s5 =	rddreg [dreg:$0x0];
	s1 =	stileid.u32;
	s4 =	simm.s32 $0x1  }
0x3: {  	s6 =	simm.s32 $0x2;
	s8 =	simm.s32 $0x0;
	s2 =	sshll.u32 s0, $0x4  }
0x4: {  	s9 =	simm.s32 $0x0;
	s13 =	simm.s32 $0x0;
	s2 =	sand.u32 $0x10, s2  }
.Ltmp0:
0x5: {  	s10 =	simm.s32 $0x0;
	s3 =	sor.u32 s1, s2;
	(pc) =	sbr.rel .LBB1_1-.Ltmp0, $4  }
0x6: {  	s0 =	rddreg [dreg:$0x1];
	_ =	strace $0x80000047;
	s3 =	sshll.u32 s3, $0x4  }
0x7: {  	s12 =	simm.s32 $0x0;
	[sflag:s4] =	ssyncpa.u1 $0x0;
	s7 =	ssub.s32 $0x7A10, s3  }
0x8: {  	s2 =	sadd.s32 $0x1000, s5;
	[sflag:s6] =	ssyncpa.u1 $0x0;
	s6 =	sshrl.u32 s7, $0x9  }
0x9: {  	s5 =	sadd.s32 $0x3D1A00, s5;
	s11 =	smov.u32 s3;
	s7 =	sor.u32 $0x2, s6  }
.LBB1_7:
0xa: {  	s15 =	sshll.u32 s12, $0xF  }
0xb: {  	s15 =	sand.u32 $0x8000, s15  }
0xc: {  	s16 =	sshll.u32 s10, $0x7;
	s15 =	sshrl.u32 s15, $0x1  }
0xd: {  	s16 =	sadd.s32 s5, s16;
	s15 =	sor.u32 $0x8000, s15  }
0xe: {  	[hbm4b:s16+s8] =	stream.linear.scatter [tilespmem:s15], [sflag:$0x2], s14, $0x38;
	[tilespmem:$0x10000] =	vst v63  }
.LBB1_8:
0xf: {  	p0 =	slt.u32 s12, $0x2  }
0x10: {  	p1 =	sgt.s32 @!p0 s13, $0x7A02  }
0x11: {  	s14 =	smov.u32 s13;
	s15 =	sshra.s32 @!p0 s13, $0x1F;
	p1 =	por !p1, p0  }
0x12: {  	s13 =	sand.u32 @!p0 s15, s13;
	s14 =	simm.s32 @p1 $0x7A02  }
0x13: {  	s13 =	ssub.s32 @!p0 s14, s13  }
0x14: {  	s13 =	sadd.s32 @!p0 $0xFFFF85FE, s13  }
0x15: {  	s14 =	sshll.u32 @!p0 s13, $0xC  }
0x16: {  	p1 =	sgt.s32 @!p0 s13, $0xF;
	s13 =	ssub.s32 @!p0 $0x10000, s14  }
0x17: {  	s15 =	sadd.s32 $0x200, s11;
	p1 =	por !p1, p0;
	s13 =	sshrl.u32 @!p0 s13, $0x2  }
0x18: {  	s13 =	simm.s32 @!p1 $0x0;
	p1 =	sgt.s32 s15, $0x7A11  }
0x19: {  	s15 =	smov.u32 @p1 s3;
	p1 =	sne.s32 s12, s7  }
.Ltmp1:
0x1a: {  	_ = 	snop;
	(pc) =	sbr.rel @!p1 .LBB1_9-.Ltmp1, $4  }
0x1b: {  	s14 =	simm.s32 @!p0 $0x2  }
0x1c: {  	s9 =	sadd.s32 $0x8000, s9;
	_ =	swait.ge @!p0 [sflag:s14], s13;
	s16 =	ssub.s32 @!p0 $0x0, s13  }
0x1d: {  	s13 =	smov.u32 s10;
	s12 =	sadd.s32 $0x1, s12;
	[sflag:s14] =	ssyncset.done @!p0 $0x0  }
0x1e: {  	s10 =	smov.u32 s11;
	s11 =	smov.u32 s15;
	[sflag:s14] =	ssyncadd.s32 @!p0 s16  }
.LBB1_1:
0x1f: {  	p0 =	sgt.u32 s12, s6  }
0x20: {  	p1 =	sgt.s32 @!p0 s11, $0x7A02  }
0x21: {  	s14 =	smov.u32 s11;
	s15 =	sshra.s32 @!p0 s11, $0x1F;
	p1 =	por !p1, p0  }
0x22: {  	s15 =	sand.u32 @!p0 s15, s11;
	s14 =	simm.s32 @p1 $0x7A02  }
0x23: {  	s14 =	ssub.s32 @!p0 s14, s15  }
0x24: {  	s14 =	sadd.s32 @!p0 $0xFFFF85FE, s14  }
0x25: {  	s16 =	sshll.u32 @!p0 s11, $0x7;
	s17 =	simm.s32 @!p0 $0x0;
	s15 =	sshll.u32 @!p0 s14, $0xC  }
0x26: {  	p1 =	sgt.s32 @!p0 s14, $0xF;
	s14 =	ssub.s32 @!p0 $0x10000, s15;
	s15 =	sxor.u32 @!p0 $0xFFFFFFFF, s12  }
0x27: {  	p1 =	por !p1, p0;
	s14 =	sshrl.u32 @!p0 s14, $0x2;
	s15 =	sshll.u32 @!p0 s15, $0xE  }
0x28: {  	s16 =	sadd.s32 @!p0 s2, s16;
	s14 =	simm.s32 @!p1 $0x0;
	s15 =	sand.u32 @!p0 $0x4000, s15  }
0x29: {  	[tilespmem:s15], [sflag:$0x1] =	stream.linear.gather @!p0 [hbm4b:s16+s17], s14, $0x38;
	[tilespmem:$0x10000] =	vst v63  }
0x2a: {  	p0 =	seq.s32 s12, $0x0  }
0x2b: {  	p1 =	sge.u32 @!p0 s12, s7  }
0x2c: {  	p0 =	por p0, p1  }
.Ltmp2:
0x2d: {  	_ = 	snop;
	(pc) =	sbr.rel @p0 .LBB1_8-.Ltmp2, $1  }
0x2e: {  	_ =	sdelay $0x3  }
0x2f: {  	p0 =	sgt.s32 s10, $0x7A02;
	s14 =	smov.u32 s10;
	s15 =	sshra.s32 s10, $0x1F  }
0x30: {  	s14 =	simm.s32 @!p0 $0x7A02;
	s15 =	sand.u32 s15, s10  }
0x31: {  	s14 =	ssub.s32 s14, s15  }
0x32: {  	s16 =	sadd.s32 $0x10, s10;
	s14 =	sadd.s32 $0xFFFF85FE, s14  }
0x33: {  	p1 =	slt.s32 s16, $0x7A12;
	s30 =	sshll.u32 s14, $0xC  }
0x34: {  	s16 =	simm.s32 @!p1 $0x7A12;
	s15 =	ssub.s32 $0x10000, s30  }
0x35: {  	p0 =	sgt.s32 s14, $0xF;
	s14 =	sshrl.u32 s15, $0x2;
	s15 =	ssub.s32 s16, s10  }
0x36: {  	s14 =	simm.s32 @p0 $0x0;
	p0 =	slt.s32 s15, $0x1  }
.Ltmp3:
0x37: {  	_ = 	snop;
	(pc) =	sbr.rel @p0 .LBB1_7-.Ltmp3, $4  }
0x38: {  	_ = 	snop  }
0x39: {  	_ =	swait.ge [sflag:s4], s14  }
0x3a: {  	s31 =	ssub.s32 $0x0, s14;
	[sflag:s4] =	ssyncset.done $0x0  }
0x3b: {  	[sflag:s4] =	ssyncadd.s32 s31  }
0x3c: {  	s16 =	sshrl.u32 s9, $0x1  }
0x3d: {  	s17 =	sand.u32 $0x4000, s16  }
0x3e: {  	s18 =	simm.s32 $0x0;
	s16 =	sor.u32 $0x200, s17;
	s17 =	sor.u32 $0x8080, s17  }
.LBB1_4:
0x3f: {  	v0 =	vld [tilespmem:s16+$0xFFFFFE70]  }
0x40: {  	v1 =	vld [tilespmem:s16+$0x70]  }
0x41: {  	v2 =	vld [tilespmem:s16+$0x0]  }
0x42: {  	v3 =	vld [tilespmem:s16+$0xFFFFFE10]  }
0x43: {  	v4 =	vld [tilespmem:s16+$0x10]  }
0x44: {  	v5 =	vld [tilespmem:s16+$0xFFFFFE20]  }
0x45: {  	v7 =	vld [tilespmem:s16+$0x20]  }
0x46: {  	v11 =	vld [tilespmem:s16+$0x30];
	v6 =	vunpack.i.l.s16.s32 v0;
	v8 =	vunpack.i.u.s16.s32 v0;
	v9 =	vunpack.i.u.s16.s32 v1  }
0x47: {  	v10 =	vunpack.i.l.s16.s32 v1;
	v0 =	vunpack.i.u.s16.s32 v2;
	v1 =	vunpack.i.l.s16.s32 v2;
	v2 =	vld [tilespmem:s16+$0xFFFFFE30]  }
0x48: {  	v8 =	vpack.i.b32.b16 v9, v8;
	v9 =	vunpack.i.u.s16.s32 v3;
	v3 =	vunpack.i.l.s16.s32 v3  }
0x49: {  	v12 =	vld [tilespmem:s16+$0xFFFFFE40];
	v6 =	vpack.i.b32.b16 v10, v6;
	[tilespmem:s17+$0x70] =	vst v8;
	v8 =	vunpack.i.u.s16.s32 v4;
	v4 =	vunpack.i.l.s16.s32 v4  }
0x4a: {  	v13 =	vld [tilespmem:s16+$0x40];
	v10 =	vunpack.i.u.s16.s32 v5;
	v5 =	vunpack.i.l.s16.s32 v5;
	[tilespmem:s17+$0xFFFFFFF0] =	vst v6;
	v3 =	vpack.i.b32.b16 v4, v3  }
0x4b: {  	v6 =	vunpack.i.l.s16.s32 v7;
	v4 =	vld [tilespmem:s16+$0xFFFFFE50];
	[tilespmem:s17+$0xFFFFFF90] =	vst v3;
	v3 =	vpack.i.b32.b16 v8, v9;
	v8 =	vunpack.i.u.s16.s32 v7  }
0x4c: {  	v7 =	vunpack.i.l.s16.s32 v11;
	[tilespmem:s17+$0x10] =	vst v3;
	v3 =	vpack.i.b32.b16 v6, v5;
	v9 =	vunpack.i.u.s16.s32 v2;
	v6 =	vld [tilespmem:s16+$0x50]  }
0x4d: {  	v5 =	vunpack.i.l.s16.s32 v2;
	v2 =	vld [tilespmem:s16+$0xFFFFFE60];
	[tilespmem:s17+$0xFFFFFFA0] =	vst v3;
	v3 =	vpack.i.b32.b16 v8, v10;
	v10 =	vunpack.i.u.s16.s32 v11  }
0x4e: {  	s21 =	simm.s32 $0x0;
	v11 =	vpack.i.b32.b16 v7, v5;
	v7 =	vunpack.i.u.s16.s32 v12;
	v8 =	vunpack.i.l.s16.s32 v12;
	[tilespmem:s17+$0x20] =	vst v3;
	v3 =	vld [tilespmem:s16+$0x60]  }
0x4f: {  	s22 =	sadd.s32 $0x80, s16;
	s20 =	smov.u32 s17;
	s19 =	smov.u32 s17;
	v5 =	vld [tilespmem:s16+$0xFFFFFE00];
	[tilespmem:s17+$0xFFFFFFB0] =	vst v11;
	v10 =	vpack.i.b32.b16 v10, v9;
	v9 =	vunpack.i.u.s16.s32 v13;
	v11 =	vunpack.i.l.s16.s32 v13  }
.LBB1_5:
0x50: {  	v12 =	vld [tilespmem:s22+$0xFFFFFE70];
	[tilespmem:s20+$0x30] =	vst v10;
	v8 =	vpack.i.b32.b16 v11, v8;
	v10 =	vunpack.i.u.s16.s32 v4;
	v4 =	vunpack.i.l.s16.s32 v4  }
0x51: {  	s21 =	sadd.s32 $0x2, s21;
	v7 =	vpack.i.b32.b16 v9, v7;
	v11 =	vld [tilespmem:s22+$0x70];
	[tilespmem:s20+$0xFFFFFFC0] =	vst v8;
	v8 =	vunpack.i.u.s16.s32 v6;
	v6 =	vunpack.i.l.s16.s32 v6  }
0x52: {  	p0 =	slt.u32 s21, $0x6;
	v9 =	vld [tilespmem:s22+$0x0];
	[tilespmem:s20+$0x40] =	vst v7;
	v4 =	vpack.i.b32.b16 v6, v4;
	v6 =	vunpack.i.u.s16.s32 v2;
	v2 =	vunpack.i.l.s16.s32 v2  }
0x53: {  	v7 =	vld [tilespmem:s22+$0xFFFFFE10];
	[tilespmem:s20+$0xFFFFFFD0] =	vst v4;
	v4 =	vpack.i.b32.b16 v8, v10;
	v8 =	vunpack.i.u.s16.s32 v3;
	v3 =	vunpack.i.l.s16.s32 v3  }
0x54: {  	v10 =	vld [tilespmem:s22+$0x10];
	v13 =	vunpack.i.u.s16.s32 v5;
	v5 =	vunpack.i.l.s16.s32 v5;
	[tilespmem:s20+$0x50] =	vst v4;
	v2 =	vpack.i.b32.b16 v3, v2  }
0x55: {  	v3 =	vld [tilespmem:s22+$0xFFFFFE20];
	v4 =	vunpack.i.l.s16.s32 v12;
	v1 =	vpack.i.b32.b16 v1, v5;
	v5 =	vpack.i.b32.b16 v0, v13;
	[tilespmem:s20+$0xFFFFFFE0] =	vst v2  }
0x56: {  	v12 =	vunpack.i.u.s16.s32 v12;
	v2 =	vld [tilespmem:s22+$0x20];
	v13 =	vunpack.i.u.s16.s32 v11;
	v11 =	vunpack.i.l.s16.s32 v11;
	[tilespmem:s20+$0xFFFFFF80] =	vst v1  }
0x57: {  	s20 =	sadd.s32 $0x100, s20;
	v0 =	vunpack.i.u.s16.s32 v9;
	v1 =	vunpack.i.l.s16.s32 v9;
	v9 =	vld [tilespmem:s22+$0xFFFFFE30];
	v12 =	vpack.i.b32.b16 v13, v12;
	[tilespmem:s19+$0x0] =	vst v5  }
0x58: {  	v6 =	vpack.i.b32.b16 v8, v6;
	v5 =	vunpack.i.u.s16.s32 v7;
	v7 =	vunpack.i.l.s16.s32 v7;
	v13 =	vld [tilespmem:s22+$0x30];
	[tilespmem:s20+$0x70] =	vst v12  }
0x59: {  	v4 =	vpack.i.b32.b16 v11, v4;
	v8 =	vunpack.i.u.s16.s32 v10;
	v10 =	vunpack.i.l.s16.s32 v10;
	v12 =	vld [tilespmem:s22+$0xFFFFFE40];
	[tilespmem:s19+$0x60] =	vst v6;
	s19 =	smov.u32 s20  }
0x5a: {  	v6 =	vpack.i.b32.b16 v10, v7;
	v7 =	vunpack.i.u.s16.s32 v3;
	v3 =	vunpack.i.l.s16.s32 v3;
	v11 =	vld [tilespmem:s22+$0x40];
	[tilespmem:s20+$0xFFFFFFF0] =	vst v4  }
.Ltmp4:
0x5b: {  	v5 =	vpack.i.b32.b16 v8, v5;
	[tilespmem:s20+$0xFFFFFF90] =	vst v6;
	v8 =	vunpack.i.u.s16.s32 v2;
	v2 =	vunpack.i.l.s16.s32 v2;
	v4 =	vld [tilespmem:s22+$0xFFFFFE50];
	(pc) =	sbr.rel @p0 .LBB1_5-.Ltmp4, $4  }
0x5c: {  	[tilespmem:s20+$0x10] =	vst v5;
	v2 =	vpack.i.b32.b16 v2, v3;
	v10 =	vunpack.i.u.s16.s32 v9;
	v3 =	vunpack.i.l.s16.s32 v9;
	v6 =	vld [tilespmem:s22+$0x50]  }
0x5d: {  	v5 =	vpack.i.b32.b16 v8, v7;
	[tilespmem:s20+$0xFFFFFFA0] =	vst v2;
	v9 =	vunpack.i.u.s16.s32 v13;
	v7 =	vunpack.i.l.s16.s32 v13;
	v2 =	vld [tilespmem:s22+$0xFFFFFE60]  }
0x5e: {  	[tilespmem:s20+$0x20] =	vst v5;
	v13 =	vpack.i.b32.b16 v7, v3;
	v7 =	vunpack.i.u.s16.s32 v12;
	v8 =	vunpack.i.l.s16.s32 v12;
	v3 =	vld [tilespmem:s22+$0x60]  }
0x5f: {  	v10 =	vpack.i.b32.b16 v9, v10;
	v5 =	vld [tilespmem:s22+$0xFFFFFE00];
	[tilespmem:s20+$0xFFFFFFB0] =	vst v13;
	v9 =	vunpack.i.u.s16.s32 v11;
	v11 =	vunpack.i.l.s16.s32 v11;
	s22 =	sadd.s32 $0x80, s22  }
0x60: {  	[tilespmem:s20+$0x30] =	vst v10;
	v8 =	vpack.i.b32.b16 v11, v8  }
0x61: {  	v51 =	vunpack.i.l.s16.s32 v4;
	v7 =	vpack.i.b32.b16 v9, v7;
	[tilespmem:s20+$0xFFFFFFC0] =	vst v8;
	v52 =	vunpack.i.l.s16.s32 v6  }
0x62: {  	v53 =	vunpack.i.u.s16.s32 v4;
	s18 =	sadd.s32 $0x1, s18;
	v54 =	vunpack.i.u.s16.s32 v6;
	[tilespmem:s20+$0x40] =	vst v7;
	v55 =	vpack.i.b32.b16 v52, v51  }
0x63: {  	p0 =	sne.s32 s18, s15;
	v56 =	vunpack.i.l.s16.s32 v2;
	v4 =	vpack.i.b32.b16 v54, v53;
	[tilespmem:s20+$0xFFFFFFD0] =	vst v55;
	v57 =	vunpack.i.l.s16.s32 v3  }
.Ltmp5:
0x64: {  	[tilespmem:s20+$0x50] =	vst v4;
	v58 =	vunpack.i.l.s16.s32 v5;
	v59 =	vpack.i.b32.b16 v57, v56;
	(pc) =	sbr.rel @p0 .LBB1_4-.Ltmp5, $4  }
.Ltmp6:
0x65: {  	v61 =	vunpack.i.u.s16.s32 v2;
	v62 =	vunpack.i.u.s16.s32 v3;
	v1 =	vpack.i.b32.b16 v1, v58;
	[tilespmem:s20+$0xFFFFFFE0] =	vst v59;
	(pc) =	sbr.rel @!p0 .LBB1_7-.Ltmp6, $4  }
0x66: {  	v60 =	vunpack.i.u.s16.s32 v5;
	v63 =	vpack.i.b32.b16 v62, v61;
	[tilespmem:s20+$0xFFFFFF80] =	vst v1  }
0x67: {  	v0 =	vpack.i.b32.b16 v0, v60;
	[tilespmem:s19+$0x60] =	vst v63  }
0x68: {  	s16 =	sadd.s32 $0x400, s16;
	s17 =	sadd.s32 $0x400, s17;
	[tilespmem:s19+$0x0] =	vst v0  }
0x69: {  	_ = 	snop  }
.LBB1_9:
0x6a: {  	_ =	sfence.sel $0x180000  }
0x6b: {  	s2 =	simm.s32 $0x1;
	[bflag:$0x0] =	sbarrier.arrive $0xFFFF  }
0x6c: {  	s31 =	simm.s32 $0x2;
	[sflag:s2] =	ssyncpa.u1 $0x1  }
0x6d: {  	[sflag:s31] =	ssyncpa.u1 $0x1  }
0x6e: {  	p0 =	sne.s32 s1, $0x0;
	_ =	strace $0x90000047  }
0x6f: {  	s0 =	sadd.s32 @!p0 $0x100000, s0;
	[bflag:$0x2] =	sbarrier.arrive $0xFFFF  }
0x70: {  	[sflag:s0] =	ssyncadd.tile.s32 @!p0 $0x1;
	_ =	shalt  }
.Lfunc_end1:
_tile_overlayer_lowered:
.L_overlay_start_2:
0x71: {  	(tag) =	ssettag $0x2  }
0x72: {  	s0 =	rddreg [dreg:$0x0];
	s2 =	stileid.u32  }
0x73: {  	s1 =	rddreg [dreg:$0x1];
	p0 =	sne.s32 s2, $0x0  }
0x74: {  	s3 =	rddreg [dreg:$0x2];
	[bflag:$0x3] =	sbarrier.arrive $0xFFFF;
	s2 =	simm.s32 @!p0 $0x1C01  }
0x75: {  	[timem:s3], [sflag:s2] =	dma.local @!p0 [hbm:s0], s1  }
0x76: {  	s0 =	simm.s32 @!p0 $0x1  }
0x77: {  	_ =	swait.ge @!p0 [sflag:s0], s1  }
0x78: {  	s1 =	ssub.s32 @!p0 $0x0, s1;
	[sflag:s0] =	ssyncset.done @!p0 $0x0  }
0x79: {  	[sflag:s0] =	ssyncadd.s32 @!p0 s1  }
0x7a: {  	[bflag:$0x3] =	sbarrier.arrive $0xFFFF  }
0x7b: {  	_ =	shalt  }

// kernel: sparse-core-data-format-call.cloned.1.call-start
scs
called_computation_lowered:
.L_overlay_start_0:
0x0: {  	s2 =	sld [smem:$0x3FD9]  }
0x1: {  	s3 =	sld [smem:$0x3FFE];
	_ =	sdelay $0x1  }
0x2: {  	s1 =	srdreg.scid  }
0x3: {  	s0 =	sand.u32 $0x1, s1  }
0x4: {  	s18 =	sshll.u32 s0, $0xA;
	s2 =	sadd.s32 s3, s2  }
0x5: {  	s2 =	sadd.s32 s2, s18  }
0x6: {  	[smem:$0x3FC5] =	sst s2  }
0x7: {  	_ = 	snop  }
0x8: {  	s2 =	sld [smem:$0x3FD0];
	(tm) =	ssettm $0x1  }
0x9: {  	s19 =	sld [smem:$0x3FFB];
	_ =	sdelay $0x3  }
0xa: {  	_ =	strace s19  }
0xb: {  	s3 =	sld [smem:$0x3FFC];
	_ =	sdelay $0x3  }
0xc: {  	_ =	strace s3  }
0xd: {  	s3 =	sld [smem:$0x3FFD];
	_ =	sdelay $0x3  }
0xe: {  	_ =	strace s3  }
0xf: {  	_ =	strace $0x8FFFFFFF  }
0x10: {  	s20 =	sld [smem:$0x3FDB];
	_ =	sdelay $0x1  }
0x11: {  	s4 =	simm.s32 $_scs_section_size  }
0x12: {  	s5 =	simm.s32 $_size__tile_overlayer_lowered;
	s6 =	simm.s32 $_tile_overlayer_lowered  }
0x13: {  	s23 =	simm.s32 $0x1BFF;
	s22 =	sshll.u32 s6, $0x1;
	s3 =	sadd.s32 s4, s20  }
0x14: {  	s7 =	simm.s32 $0x0;
	s21 =	sshll.u32 s5, $0x1;
	s5 =	sadd.s32 s22, s3  }
0x15: {  	[timem:s7], [sflag:s23] =	dma.local [hbm:s5], s21  }
0x16: {  	_ =	swait.ge [sflag:s23], s21  }
0x17: {  	s4 =	ssub.s32 $0x0, s21;
	[sflag:s23] =	ssyncset.done $0x0  }
0x18: {  	[sflag:s23] =	ssyncadd.s32 s4;
	_ =	sdelay $0x1  }
0x19: {  	s24 =	simm.s32 $0x1B8B  }
0x1a: {  	_ =	swait.ge [sflag:s24], $0x1  }
0x1b: {  	[sflag:s24] =	ssyncset.done $0x0  }
0x1c: {  	s26 =	simm.s32 $0x1B8E;
	s25 =	sld [smem:$0x3FFE];
	[sflag:s24] =	ssyncadd.s32 $0xFFFFFFFF  }
0x1d: {  	s27 =	simm.s32 $execute0_lowered;
	[smem:$0x3FD2] =	sst s26  }
0x1e: {  	s5 =	sshll.u32 s27, $0x1;
	_ =	strace $0x8000004C;
	[dreg:$0x1] =	wrdreg $0xFFFFFFFF  }
0x1f: {  	s28 =	simm.s32 $_size_execute0_lowered;
	s3 =	sadd.s32 s3, s5;
	[dreg:$0x0] =	wrdreg $0x0  }
0x20: {  	s5 =	sshll.u32 s28, $0x1;
	[dreg:$0x2] =	wrdreg s3  }
0x21: {  	[dreg:$0x3] =	wrdreg s5  }
0x22: {  	[dreg:$0x4] =	wrdreg $0xC0  }
0x23: {  	_ =	task [dreg:s7], $0x5FFFF  }
0x24: {  	[dreg:$0x1] =	wrdreg $0xFFFFFFFF  }
0x25: {  	[dreg:$0x0] =	wrdreg $0x60  }
0x26: {  	[dreg:$0x2] =	wrdreg s25  }
0x27: {  	[dreg:$0x3] =	wrdreg s2  }
0x28: {  	[dreg:$0x4] =	wrdreg $0x9  }
0x29: {  	_ =	task.clear_ibuf [dreg:s7], $0x5FFFF;
	_ =	strace $0x9000004C  }
0x2a: {  	s29 =	simm.s32 $0x9;
	_ =	strace $0x8000004E  }
0x2b: {  	_ =	swait.ge [sflag:s29], $0x1  }
0x2c: {  	[sflag:s29] =	ssyncadd.s32 $0xFFFFFFFF  }
0x2d: {  	_ =	strace $0x9000004E  }
0x2e: {  	_ =	sfence  }
0x2f: {  	s30 =	sld [smem:$0x0];
	_ =	sdelay $0x2  }
0x30: {  	s31 =	sshll.u32 s1, $0xD;
	s1 =	sshrl.u32 s1, $0x2  }
0x31: {  	s3 =	sand.u32 $0x4000, s31;
	s1 =	sadd.s32 s1, s30  }
0x32: {  	s0 =	sor.u32 s3, s0;
	s1 =	sshll.u32 s1, $0x11  }
0x33: {  	s0 =	sor.u32 s1, s0  }
0x34: {  	s0 =	sadd.s32 $0x8F2B, s0  }
0x35: {  	[sflag:s0] =	ssyncadd.remote.s32 $0x1  }
0x36: {  	_ =	sfence.sel $0xFFFF  }
0x37: {  	[dreg:$0x0] =	wrdreg $0xFFFFFFFF;
	(pc) =	sbr.abs _section_cstart, $3  }
0x38: {  	[dreg:$0x1] =	wrdreg $0xFFFFFFFF  }
0x39: {  	_ =	task.clear_ibuf [dreg:s7], $0x2FFFF;
	_ =	strace $0x9FFFFFFF  }
0x3a: {  	(tm) =	ssettm $0x7FFFFFFF  }
0x3b: {  	_ =	shalt  }
tec
execute0_lowered:
.L_overlay_start_1:
0x0: {  	(tag) =	ssettag $0x1  }
0x1: {  	s0 =	srdreg.scid  }
0x2: {  	s1 =	sshll.u32 s0, $0x4  }
0x3: {  	s0 =	stileid.u32;
	s1 =	sand.u32 $0x10, s1  }
0x4: {  	s1 =	sor.u32 s0, s1  }
0x5: {  	s6 =	rddreg [dreg:$0x0];
	s4 =	simm.s32 $0x1;
	s2 =	sshll.u32 s1, $0x7  }
0x6: {  	s7 =	simm.s32 $0x2;
	s13 =	simm.s32 $0x0;
	s1 =	ssub.s32 $0x1000, s2  }
0x7: {  	s8 =	simm.s32 $0x4000;
	s12 =	simm.s32 $0x0;
	s3 =	sand.u32 $0xF80, s1  }
0x8: {  	s9 =	simm.s32 $0x0;
	s5 =	sshrl.u32 s1, $0xC;
	p0 =	sne.s32 s3, $0x0  }
.Ltmp0:
0x9: {  	s1 =	rddreg [dreg:$0x2];
	s4 =	simm.s32 @!p0 $0x0;
	(pc) =	sbr.rel .LBB1_1-.Ltmp0, $4  }
0xa: {  	s11 =	simm.s32 $0x0;
	s3 =	rddreg [dreg:$0x1];
	s5 =	sadd.s32 s4, s5  }
0xb: {  	_ =	strace $0x8000004D;
	s4 =	simm.s32 $0x1;
	s5 =	smul.u32 $0x64, s5  }
0xc: {  	s6 =	sadd.s32 $0x321000, s6;
	s10 =	smov.u32 s2;
	[sflag:s4] =	ssyncpa.u1 $0x0  }
0xd: {  	p0 =	por $0x0, $0x0;
	[sflag:s7] =	ssyncpa.u1 $0x0;
	s7 =	sor.u32 $0x1, s5  }
.LBB1_4:
0xe: {  	v1 =	vperm.xlane.i2c.b16 v1;
	v0 =	vperm.xlane.i2c.b16 v0  }
0xf: {  	v2 =	vperm.xlane.i2c.b16 v2;
	v3 =	vperm.xlane.i2c.b16 v3  }
0x10: {  	[tilespmem:s16+$0x0 ss:$0x81] =	vst.msk $0xffff, v5;
	s17 =	sshra.s32 s17, $0x2;
	s18 =	sshll.u32 s12, $0x3;
	s19 =	sshll.u32 s12, $0x1;
	v62 =	vcombine.low v0, v1  }
0x11: {  	s13 =	sshll.u32 s13, $0xE;
	s30 =	sshrl.u32 s12, $0x1;
	[tilespmem:s16+$0x1020 ss:$0x81] =	vst.msk $0xffff, v4;
	s15 =	sadd.s32 s17, s15;
	v63 =	vcombine.low v3, v2  }
0x12: {  	s31 =	sand.u32 $0x7, s12;
	s28 =	sand.u32 $0xF0, s19;
	s29 =	sand.u32 $0xC00, s18;
	v0 =	vcombine.high v0, v1;
	[tilespmem:s15+$0x810 ss:$0x81] =	vst.msk $0xffff, v62  }
0x13: {  	s17 =	sand.u32 $0x3F00, s30;
	s13 =	sadd.s32 s3, s13;
	s16 =	sor.u32 s28, s29;
	v2 =	vcombine.high v3, v2;
	[tilespmem:s15+$0x0 ss:$0x81] =	vst.msk $0xffff, v63  }
0x14: {  	s12 =	sshll.u32 s31, $0x12;
	s13 =	sadd.s32 s17, s13;
	s16 =	sshrl.u32 s16, $0x4;
	[tilespmem:s15+$0x1830 ss:$0x81] =	vst.msk $0xffff, v0  }
0x15: {  	s12 =	sor.u32 $0x200, s12;
	s13 =	sadd.s32 s16, s13;
	[tilespmem:s15+$0x1020 ss:$0x81] =	vst.msk $0xffff, v2  }
0x16: {  	[hbm4b:s13+s12] =	stream.strided.scatter [tilespmem:s14], [sflag:$0x2], $0x2000, s8, s12, $0x20;
	[tilespmem:$0x8080] =	vst v63  }
.LBB1_5:
0x17: {  	s14 =	sadd.s32 $0x2, s9  }
0x18: {  	s12 =	sadd.s32 $0x1000, s10;
	s16 =	smov.u32 s10;
	p2 =	sgt.s32 s14, $0xC7  }
0x19: {  	s16 =	smov.u32 @p2 s12  }
0x1a: {  	s14 =	simm.s32 @p2 $0x0;
	p2 =	sgt.s32 s16, $0xFFF  }
0x1b: {  	s16 =	smov.u32 @p2 s2;
	p2 =	sne.s32 s11, s7  }
.Ltmp1:
0x1c: {  	p1 =	slt.u32 s11, $0x2;
	(pc) =	sbr.rel @!p2 .LBB1_6-.Ltmp1, $4  }
0x1d: {  	s15 =	simm.s32 @!p1 $0x2  }
0x1e: {  	s13 =	smov.u32 s9;
	p0 =	por !p0, !p0;
	_ =	swait.ge @!p1 [sflag:s15], $0x2000  }
0x1f: {  	s12 =	smov.u32 s10;
	[sflag:s15] =	ssyncset.done @!p1 $0x0;
	s9 =	smov.u32 s14  }
0x20: {  	s11 =	sadd.s32 $0x1, s11;
	[sflag:s15] =	ssyncadd.s32 @!p1 $0xFFFFE000;
	s10 =	smov.u32 s16  }
.LBB1_1:
0x21: {  	p1 =	sge.u32 s11, s5  }
0x22: {  	s14 =	sand.u32 @!p1 $0x1FFFFFE, s9  }
0x23: {  	s15 =	smulhi.u32 @!p1 $0x147AE15, s14;
	_ =	sdelay $0x1  }
0x24: {  	s15 =	smul.u32 @!p1 $0xC8, s15  }
0x25: {  	s31 =	sadd.s32 $0xFFFFFFFF, s11;
	s16 =	smul.u32 @!p1 $0x640, s10  }
0x26: {  	s17 =	simm.s32 @!p1 $0x3200;
	s14 =	ssub.s32 @!p1 s14, s15;
	s15 =	sxor.u32 @!p1 $0xFFFFFFFF, s11  }
0x27: {  	s16 =	sadd.s32 @!p1 s6, s16;
	s14 =	sshll.u32 @!p1 s14, $0x3;
	s15 =	sshll.u32 @!p1 s15, $0xD  }
0x28: {  	s14 =	sadd.s32 @!p1 s14, s16;
	s15 =	sand.u32 @!p1 $0x2000, s15;
	s16 =	simm.s32 @!p1 $0x40  }
0x29: {  	[tilespmem:s15], [sflag:$0x1] =	stream.strided.gather @!p1 [hbm4b:s14+s16], $0x2000, s17, s16, $0x38;
	[tilespmem:$0x8080] =	vst v63  }
0x2a: {  	p1 =	sge.u32 s31, s5  }
.Ltmp2:
0x2b: {  	_ = 	snop;
	(pc) =	sbr.rel @p1 .LBB1_5-.Ltmp2, $1  }
0x2c: {  	_ =	sdelay $0x3  }
0x2d: {  	s14 =	simm.s32 $0x1  }
0x2e: {  	_ =	swait.ge [sflag:s4], $0x2000;
	s14 =	simm.s32 @!p0 $0x0  }
0x2f: {  	[sflag:s4] =	ssyncset.done $0x0;
	s15 =	sshll.u32 s14, $0xD  }
0x30: {  	[sflag:s4] =	ssyncadd.s32 $0xFFFFE000;
	s15 =	sor.u32 $0x20, s15  }
0x31: {  	v0 =	vld [tilespmem:s15+$0x0]  }
0x32: {  	v1 =	vld [tilespmem:s15+$0x10]  }
0x33: {  	v2 =	vld [tilespmem:s15+$0xFFFFFFF0]  }
0x34: {  	v3 =	vld [tilespmem:s15+$0xFFFFFFE0];
	_ =	sdelay $0x1  }
0x35: {  	s14 =	smul.u32 $0x8100, s14;
	s19 =	sadd.s32 $0x40, s15  }
0x36: {  	s16 =	sand.u32 $0x1, s11;
	v4 =	vperm.xlane.i2c.b16 v1;
	v5 =	vperm.xlane.i2c.b16 v0;
	v0 =	vld [tilespmem:s19+$0x0]  }
0x37: {  	s16 =	smul.u32 $0x8100, s16;
	s14 =	sshrl.u32 s14, $0x2;
	v6 =	vperm.xlane.i2c.b16 v2;
	v1 =	vld [tilespmem:s19+$0x10]  }
0x38: {  	s15 =	sor.u32 $0x4000, s14;
	v8 =	vperm.xlane.i2c.b16 v3;
	v2 =	vld [tilespmem:s19+$0xFFFFFFF0];
	v7 =	vcombine.low v5, v4  }
0x39: {  	s31 =	sshrl.u32 s16, $0x2;
	s16 =	sadd.s32 $0x0, s15;
	v3 =	vld [tilespmem:s19+$0xFFFFFFE0];
	v9 =	vcombine.high v5, v4  }
0x3a: {  	s17 =	simm.s32 $0x4;
	v5 =	vcombine.low v8, v6;
	[tilespmem:s16+$0x810 ss:$0x81] =	vst.msk $0xffff, v7  }
0x3b: {  	s18 =	simm.s32 $0x8;
	s14 =	sor.u32 $0x4000, s31;
	s19 =	sadd.s32 $0x40, s19;
	v4 =	vcombine.high v8, v6;
	[tilespmem:s16+$0x1830 ss:$0x81] =	vst.msk $0xffff, v9  }
.LBB1_3:
0x3c: {  	v6 =	vperm.xlane.i2c.b16 v1;
	v7 =	vperm.xlane.i2c.b16 v0;
	v0 =	vld [tilespmem:s19+$0x0];
	[tilespmem:s16+$0x0 ss:$0x81] =	vst.msk $0xffff, v5;
	s20 =	smov.u32 s18;
	p1 =	sne.s32 s18, $0x1FC  }
.Ltmp3:
0x3d: {  	v8 =	vperm.xlane.i2c.b16 v2;
	v1 =	vld [tilespmem:s19+$0x10];
	[tilespmem:s16+$0x1020 ss:$0x81] =	vst.msk $0xffff, v4;
	(pc) =	sbr.rel @p1 .LBB1_3-.Ltmp3, $4  }
0x3e: {  	s18 =	sadd.s32 $0x4, s18;
	v4 =	vperm.xlane.i2c.b16 v3;
	s16 =	sshra.s32 s17, $0x2;
	v2 =	vld [tilespmem:s19+$0xFFFFFFF0];
	v9 =	vcombine.low v7, v6  }
0x3f: {  	s17 =	smov.u32 s20;
	s16 =	sadd.s32 s16, s15;
	v6 =	vcombine.high v7, v6;
	v3 =	vld [tilespmem:s19+$0xFFFFFFE0]  }
0x40: {  	v5 =	vcombine.low v4, v8;
	v4 =	vcombine.high v4, v8;
	[tilespmem:s16+$0x810 ss:$0x81] =	vst.msk $0xffff, v9  }
0x41: {  	s19 =	sadd.s32 $0x40, s19;
	[tilespmem:s16+$0x1830 ss:$0x81] =	vst.msk $0xffff, v6  }
.Ltmp4:
0x42: {  	_ = 	snop;
	(pc) =	sbr.rel .LBB1_4-.Ltmp4, $1  }
0x43: {  	_ =	sdelay $0x3  }
.LBB1_6:
0x44: {  	_ =	sfence.sel $0x180000  }
0x45: {  	s2 =	simm.s32 $0x1;
	[bflag:$0x0] =	sbarrier.arrive $0xFFFF  }
0x46: {  	s31 =	simm.s32 $0x2;
	[sflag:s2] =	ssyncpa.u1 $0x1  }
0x47: {  	[sflag:s31] =	ssyncpa.u1 $0x1  }
0x48: {  	p0 =	sne.s32 s0, $0x0;
	_ =	strace $0x9000004D  }
0x49: {  	s0 =	sadd.s32 @!p0 $0x100000, s1;
	[bflag:$0x2] =	sbarrier.arrive $0xFFFF  }
0x4a: {  	[sflag:s0] =	ssyncadd.tile.s32 @!p0 $0x1;
	_ =	shalt  }
.Lfunc_end1:
_tile_overlayer_lowered:
.L_overlay_start_2:
0x4b: {  	(tag) =	ssettag $0x2  }
0x4c: {  	s0 =	rddreg [dreg:$0x0];
	s2 =	stileid.u32  }
0x4d: {  	s1 =	rddreg [dreg:$0x1];
	p0 =	sne.s32 s2, $0x0  }
0x4e: {  	s3 =	rddreg [dreg:$0x2];
	[bflag:$0x3] =	sbarrier.arrive $0xFFFF;
	s2 =	simm.s32 @!p0 $0x1C01  }
0x4f: {  	[timem:s3], [sflag:s2] =	dma.local @!p0 [hbm:s0], s1  }
0x50: {  	s0 =	simm.s32 @!p0 $0x1  }
0x51: {  	_ =	swait.ge @!p0 [sflag:s0], s1  }
0x52: {  	s1 =	ssub.s32 @!p0 $0x0, s1;
	[sflag:s0] =	ssyncset.done @!p0 $0x0  }
0x53: {  	[sflag:s0] =	ssyncadd.s32 @!p0 s1  }
0x54: {  	[bflag:$0x3] =	sbarrier.arrive $0xFFFF  }
0x55: {  	_ =	shalt  }

</sc_bundles>
